<compile_context>
chip_gen: v7x
topology: tpu7x:2x2x1
jax: 0.10.2.dev20260603
libtpu: 0.0.44.dev20260713+nightly
codegen_flags: <defaults>
</compile_context>

<pallas_src>
import functools

import jax
import jax.numpy as jnp
from jax import lax
from jax.experimental import pallas as pl
from jax.experimental.pallas import tpu as pltpu
from jax.experimental.pallas import tpu_sc as plsc

B = 4
S = 2048
S_ENC = 2048
D = 1024
HEADS = 16

NC = 2
NS = 16
WPS = 8
NW = NC * WPS
TPW = B * S // NW
SPW = S // TPW
CH = 32
NCHUNK = TPW // CH

RB = 512


@functools.partial(
    pl.kernel,
    out_type=jax.ShapeDtypeStruct((B, S, D), jnp.float32),
    mesh=plsc.VectorSubcoreMesh(core_axis_name="c", subcore_axis_name="s"),
    scratch_types=[
        pltpu.VMEM((TPW,), jnp.int32),
        pltpu.VMEM((CH, D), jnp.float32),
        pltpu.VMEM((CH, D), jnp.float32),
        pltpu.SemaphoreType.DMA,
        pltpu.SemaphoreType.DMA,
        pltpu.SemaphoreType.DMA,
        pltpu.SemaphoreType.DMA,
    ],
)
def _embed_gather(table_hbm, ids_hbm, out_hbm, idx_v, rows_a, rows_b,
                  g_sem_a, g_sem_b, o_sem_a, o_sem_b):
    sid = lax.axis_index("s")
    wid = lax.axis_index("c") * WPS + sid
    b = wid // SPW
    s0 = (wid % SPW) * TPW
    bufs = (rows_a, rows_b)
    g_sems = (g_sem_a, g_sem_b)
    o_sems = (o_sem_a, o_sem_b)

    @pl.when(sid < WPS)
    def _active():
        _gather_worker(table_hbm, ids_hbm, out_hbm, idx_v, bufs, g_sems,
                       o_sems, b, s0)


def _gather_worker(table_hbm, ids_hbm, out_hbm, idx_v, bufs, g_sems,
                   o_sems, b, s0):
    pltpu.sync_copy(ids_hbm.at[b, pl.ds(s0, TPW)], idx_v)

    def gather_start(g):
        cp = pltpu.make_async_copy(
            table_hbm.at[idx_v.at[pl.ds(g * CH, CH)]], bufs[g % 2], g_sems[g % 2])
        cp.start()
        return cp

    def out_start(g):
        cp = pltpu.make_async_copy(
            bufs[g % 2], out_hbm.at[b, pl.ds(s0 + g * CH, CH)], o_sems[g % 2])
        cp.start()
        return cp

    pending_g = {0: gather_start(0)}
    pending_o = {}
    for g in range(NCHUNK):
        if g + 1 < NCHUNK:
            if g - 1 >= 0:
                pending_o[g - 1].wait()
            pending_g[g + 1] = gather_start(g + 1)
        pending_g[g].wait()
        pending_o[g] = out_start(g)
    pending_o[NCHUNK - 2].wait()
    pending_o[NCHUNK - 1].wait()


def _mask_body(dec_ref, enc_ref, ext_ref, encext_ref):
    b = pl.program_id(0)
    r = pl.program_id(1)
    row = lax.broadcasted_iota(jnp.int32, (RB, S), 0) + r * RB
    col = lax.broadcasted_iota(jnp.int32, (RB, S), 1)
    m = dec_ref[pl.ds(b, 1), :]
    on_diag = -10000.0 * (1.0 - m)
    ext_ref[0, 0] = jnp.where(col <= row, on_diag, -10000.0)
    encext_ref[...] = ((1.0 - enc_ref[pl.ds(b, 1), :]) * -1e9).reshape(1, 1, 1, S_ENC)


_mask_call = pl.pallas_call(
    _mask_body,
    grid=(B, S // RB),
    in_specs=[
        pl.BlockSpec((B, S), lambda b, r: (0, 0)),
        pl.BlockSpec((B, S_ENC), lambda b, r: (0, 0)),
    ],
    out_specs=[
        pl.BlockSpec((1, 1, RB, S), lambda b, r: (b, 0, r, 0)),
        pl.BlockSpec((1, 1, 1, S_ENC), lambda b, r: (b, 0, 0, 0)),
    ],
    out_shape=[
        jax.ShapeDtypeStruct((B, 1, S, S), jnp.float32),
        jax.ShapeDtypeStruct((B, 1, 1, S_ENC), jnp.float32),
    ],
)


def kernel(decoder_input_ids, decoder_attention_mask, encoder_attention_mask, embed_weight):
    hidden = _embed_gather(embed_weight, decoder_input_ids)
    ext, encext = _mask_call(decoder_attention_mask, encoder_attention_mask)
    bias = jnp.zeros((B, HEADS, S, 1), jnp.float32)
    return (hidden, encext, ext, bias)

# --- scband reference (transcript-rebuilt; emitter-appended) ---
"""Pipeline reference for scband-decoder-token-embeddings-1967095021973 (READ-ONLY COPY).

The authoritative reference and input builder live on the scoring server;
editing this copy changes nothing except your own understanding.
"""

import jax, jax.numpy as jnp
import numpy as np

B = 4
S = 2048
S_ENC = 2048
VOCAB = 100000
D_MODEL = 1024
NUM_HEADS = 16


def setup_inputs(seed: int = 0) -> dict:
    key = jax.random.key(seed)
    k1, k2 = jax.random.split(key)
    decoder_input_ids = jax.random.randint(k1, (B, S), 0, VOCAB, dtype=jnp.int32)
    decoder_attention_mask = jnp.ones((B, S), dtype=jnp.float32)
    encoder_attention_mask = jnp.ones((B, S_ENC), dtype=jnp.float32)
    embed_weight = jax.random.normal(k2, (VOCAB, D_MODEL), dtype=jnp.float32)
    return {
        "decoder_input_ids": decoder_input_ids,
        "decoder_attention_mask": decoder_attention_mask,
        "encoder_attention_mask": encoder_attention_mask,
        "embed_weight": embed_weight,
    }


def reference(decoder_input_ids, decoder_attention_mask, encoder_attention_mask, embed_weight):
    b, s = decoder_input_ids.shape
    ids = decoder_input_ids.reshape(-1, s)

    # invert_attention_mask on encoder mask (2D path)
    encoder_extended_attention_mask = (1.0 - encoder_attention_mask[:, None, None, :]) * -1e9

    # get_extended_attention_mask with is_decoder=True (2D path, no prefix)
    seq_ids = jnp.arange(s)
    causal_mask = (seq_ids[None, None, :] <= seq_ids[None, :, None]).astype(decoder_attention_mask.dtype)
    causal_mask = jnp.broadcast_to(causal_mask, (b, s, s))
    extended_attention_mask = causal_mask[:, None, :, :] * decoder_attention_mask[:, None, None, :]
    extended_attention_mask = (1.0 - extended_attention_mask) * -10000.0

    # embedding lookup (dropout is identity in eval mode)
    decoder_hidden_states = jnp.take(embed_weight, ids, axis=0)

    # torch.empty placeholder -> deterministic zeros in jax
    decoder_position_bias = jnp.zeros((b, NUM_HEADS, s, 1), dtype=decoder_hidden_states.dtype)

    return (decoder_hidden_states, encoder_extended_attention_mask, extended_attention_mask, decoder_position_bias)

if __name__ == "__main__":
    import jax
    _d = setup_inputs()
    print(jax.jit(kernel)(*tuple(_d.values())))

</pallas_src>

<mosaic_0001>
#map = affine_map<(d0, d1) -> (0, 0)>
#map1 = affine_map<(d0, d1) -> (0, 0, 0)>
module attributes {stable_mosaic.version = 14 : i64} {
  func.func @_embed_gather(%arg0: i32, %arg1: i32, %arg2: memref<100000x1024xf32, #tpu.memory_space<hbm>>, %arg3: memref<4x2048xi32, #tpu.memory_space<hbm>>, %arg4: memref<4x2048x1024xf32, #tpu.memory_space<hbm>>, %arg5: memref<512xi32, #tpu.memory_space<vmem>>, %arg6: memref<32x1024xf32, #tpu.memory_space<vmem>>, %arg7: memref<32x1024xf32, #tpu.memory_space<vmem>>, %arg8: memref<!tpu.dma_semaphore, #tpu.memory_space<semaphore_mem>>, %arg9: memref<!tpu.dma_semaphore, #tpu.memory_space<semaphore_mem>>, %arg10: memref<!tpu.dma_semaphore, #tpu.memory_space<semaphore_mem>>, %arg11: memref<!tpu.dma_semaphore, #tpu.memory_space<semaphore_mem>>) attributes {dimension_semantics = [#tpu.dimension_semantics<core_parallel>, #tpu.dimension_semantics<subcore_parallel>], iteration_bounds = array<i64: 2, 16>, scalar_prefetch = 0 : i64, scratch_operands = 7 : i64, tpu.core_type = #tpu.core_type<sc_vector_subcore>, window_params = [{transform_indices = #map}, {transform_indices = #map}, {transform_indices = #map1}]} {
    %mul3A = arith.constant 8 : i32
    %mul3A_0 = arith.muli %arg0, %mul3A : i32
    %add3A = arith.addi %mul3A_0, %arg1 : i32
    %jit3A = arith.constant 4 : i32
    %div3A = arith.divsi %add3A, %jit3A : i32
    %sign3A = arith.constant 0 : i32
    %sign3A_1 = arith.cmpi sgt, %add3A, %sign3A : i32
    %sign3A_2 = arith.extui %sign3A_1 : i1 to i32
    %sign3A_3 = arith.constant 0 : i32
    %sign3A_4 = arith.cmpi slt, %add3A, %sign3A_3 : i32
    %sign3A_5 = arith.extui %sign3A_4 : i1 to i32
    %sign3A_6 = arith.subi %sign3A_2, %sign3A_5 : i32
    %sign3A_7 = arith.constant 0 : i32
    %sign3A_8 = arith.cmpi sgt, %jit3A, %sign3A_7 : i32
    %sign3A_9 = arith.extui %sign3A_8 : i1 to i32
    %sign3A_10 = arith.constant 0 : i32
    %sign3A_11 = arith.cmpi slt, %jit3A, %sign3A_10 : i32
    %sign3A_12 = arith.extui %sign3A_11 : i1 to i32
    %sign3A_13 = arith.subi %sign3A_9, %sign3A_12 : i32
    %ne3A = arith.cmpi ne, %sign3A_6, %sign3A_13 : i32
    %rem3A = arith.remsi %add3A, %jit3A : i32
    %ne3A_14 = arith.constant 0 : i32
    %ne3A_15 = arith.cmpi ne, %rem3A, %ne3A_14 : i32
    %and3A = arith.andi %ne3A, %ne3A_15 : i1
    %sub3A = arith.constant 1 : i32
    %sub3A_16 = arith.subi %div3A, %sub3A : i32
    %select_n3A = arith.select %and3A, %sub3A_16, %div3A : i32
    %jit3A_17 = arith.constant 4 : i32
    %eq3A = arith.constant 0 : i32
    %eq3A_18 = arith.cmpi eq, %jit3A_17, %eq3A : i32
    %jit3A_19 = arith.constant 1 : i32
    %select_n3A_20 = arith.select %eq3A_18, %jit3A_19, %jit3A_17 : i32
    %rem3A_21 = arith.remsi %add3A, %select_n3A_20 : i32
    %ne3A_22 = arith.constant 0 : i32
    %ne3A_23 = arith.cmpi ne, %rem3A_21, %ne3A_22 : i32
    %lt3A = arith.constant 0 : i32
    %lt3A_24 = arith.cmpi slt, %rem3A_21, %lt3A : i32
    %lt3A_25 = arith.constant 0 : i32
    %lt3A_26 = arith.cmpi slt, %select_n3A_20, %lt3A_25 : i32
    %ne3A_27 = arith.xori %lt3A_24, %lt3A_26 : i1
    %and3A_28 = arith.andi %ne3A_27, %ne3A_23 : i1
    %add3A_29 = arith.addi %rem3A_21, %select_n3A_20 : i32
    %select_n3A_30 = arith.select %and3A_28, %add3A_29, %rem3A_21 : i32
    %mul3A_31 = arith.constant 512 : i32
    %mul3A_32 = arith.muli %select_n3A_30, %mul3A_31 : i32
    %lt3A_33 = arith.constant 8 : i32
    %lt3A_34 = arith.cmpi slt, %arg1, %lt3A_33 : i32
    %convert_element_type3A = arith.extui %lt3A_34 : i1 to i32
    %cond3A = arith.constant 0 : i32
    %cond3A_35 = arith.cmpi ne, %convert_element_type3A, %cond3A : i32
    scf.if %cond3A_35 {
      "tpu.region"() ({
        %run_scoped3A = tpu.sem_alloc : memref<!tpu.dma_semaphore, #tpu.memory_space<semaphore_mem>>
        %dma_start3A_418 = tpu.memref_slice %arg3[%select_n3A, %mul3A_32] : memref<4x2048xi32, #tpu.memory_space<hbm>> -> memref<1x512xi32, #tpu.memory_space<hbm>>
        %dma_start3A_419 = tpu.memref_squeeze %dma_start3A_418 : memref<1x512xi32, #tpu.memory_space<hbm>> -> memref<512xi32, #tpu.memory_space<hbm>>
        %dma_start3A_420 = tpu.memref_slice %arg3[%select_n3A, %mul3A_32] : memref<4x2048xi32, #tpu.memory_space<hbm>> -> memref<1x512xi32, #tpu.memory_space<hbm>>
        %dma_start3A_421 = tpu.memref_squeeze %dma_start3A_420 : memref<1x512xi32, #tpu.memory_space<hbm>> -> memref<512xi32, #tpu.memory_space<hbm>>
        tpu.enqueue_dma source(%dma_start3A_421 : memref<512xi32, #tpu.memory_space<hbm>>) target(%arg5 : memref<512xi32, #tpu.memory_space<vmem>>) target_semaphore(%run_scoped3A : memref<!tpu.dma_semaphore, #tpu.memory_space<semaphore_mem>>)
        %dma_wait3A_422 = tpu.memref_slice %arg3[%select_n3A, %mul3A_32] : memref<4x2048xi32, #tpu.memory_space<hbm>> -> memref<1x512xi32, #tpu.memory_space<hbm>>
        %dma_wait3A_423 = tpu.memref_squeeze %dma_wait3A_422 : memref<1x512xi32, #tpu.memory_space<hbm>> -> memref<512xi32, #tpu.memory_space<hbm>>
        %dma_wait3A_424 = tpu.memref_slice %arg3[%select_n3A, %mul3A_32] : memref<4x2048xi32, #tpu.memory_space<hbm>> -> memref<1x512xi32, #tpu.memory_space<hbm>>
        %dma_wait3A_425 = tpu.memref_squeeze %dma_wait3A_424 : memref<1x512xi32, #tpu.memory_space<hbm>> -> memref<512xi32, #tpu.memory_space<hbm>>
        tpu.wait_dma2 semaphore(%run_scoped3A : memref<!tpu.dma_semaphore, #tpu.memory_space<semaphore_mem>>) src(%dma_wait3A_425 : memref<512xi32, #tpu.memory_space<hbm>>) dst(%arg5 : memref<512xi32, #tpu.memory_space<vmem>>)
        tpu.yield
      }) : () -> ()
      %dma_start3A = arith.constant 0 : i32
      %dma_start3A_36 = tpu.memref_slice %arg5[%dma_start3A] : memref<512xi32, #tpu.memory_space<vmem>> -> memref<32xi32, #tpu.memory_space<vmem>>
      %dma_start3A_37 = arith.constant 0 : i32
      %dma_start3A_38 = arith.constant 0 : i32
      %dma_start3A_39 = tpu.memref_slice %arg2[%dma_start3A_37, %dma_start3A_38] : memref<100000x1024xf32, #tpu.memory_space<hbm>> -> memref<100000x1024xf32, #tpu.memory_space<hbm>>
      tpu.enqueue_indirect_dma source(%dma_start3A_39 : memref<100000x1024xf32, #tpu.memory_space<hbm>>) target(%arg6 : memref<32x1024xf32, #tpu.memory_space<vmem>>) offsets(%dma_start3A_36 : memref<32xi32, #tpu.memory_space<vmem>>) semaphore(%arg8 : memref<!tpu.dma_semaphore, #tpu.memory_space<semaphore_mem>>)
      %dma_start3A_40 = arith.constant 32 : i32
      %dma_start3A_41 = tpu.memref_slice %arg5[%dma_start3A_40] : memref<512xi32, #tpu.memory_space<vmem>> -> memref<32xi32, #tpu.memory_space<vmem>>
      %dma_start3A_42 = arith.constant 0 : i32
      %dma_start3A_43 = arith.constant 0 : i32
      %dma_start3A_44 = tpu.memref_slice %arg2[%dma_start3A_42, %dma_start3A_43] : memref<100000x1024xf32, #tpu.memory_space<hbm>> -> memref<100000x1024xf32, #tpu.memory_space<hbm>>
      tpu.enqueue_indirect_dma source(%dma_start3A_44 : memref<100000x1024xf32, #tpu.memory_space<hbm>>) target(%arg7 : memref<32x1024xf32, #tpu.memory_space<vmem>>) offsets(%dma_start3A_41 : memref<32xi32, #tpu.memory_space<vmem>>) semaphore(%arg9 : memref<!tpu.dma_semaphore, #tpu.memory_space<semaphore_mem>>)
      %dma_wait3A = arith.constant 0 : i32
      %dma_wait3A_45 = tpu.memref_slice %arg5[%dma_wait3A] : memref<512xi32, #tpu.memory_space<vmem>> -> memref<32xi32, #tpu.memory_space<vmem>>
      %dma_wait3A_46 = arith.constant 0 : i32
      %dma_wait3A_47 = arith.constant 0 : i32
      %dma_wait3A_48 = tpu.memref_slice %arg2[%dma_wait3A_46, %dma_wait3A_47] : memref<100000x1024xf32, #tpu.memory_space<hbm>> -> memref<100000x1024xf32, #tpu.memory_space<hbm>>
      tpu.wait_indirect_dma semaphore(%arg8 : memref<!tpu.dma_semaphore, #tpu.memory_space<semaphore_mem>>) src(%dma_wait3A_48 : memref<100000x1024xf32, #tpu.memory_space<hbm>>) dst(%arg6 : memref<32x1024xf32, #tpu.memory_space<vmem>>)
      %add3A_49 = arith.constant 0 : i32
      %add3A_50 = arith.addi %mul3A_32, %add3A_49 : i32
      %dma_start3A_51 = arith.constant 0 : i32
      %dma_start3A_52 = tpu.memref_slice %arg4[%select_n3A, %add3A_50, %dma_start3A_51] : memref<4x2048x1024xf32, #tpu.memory_space<hbm>> -> memref<1x32x1024xf32, #tpu.memory_space<hbm>>
      %dma_start3A_53 = tpu.memref_squeeze %dma_start3A_52 : memref<1x32x1024xf32, #tpu.memory_space<hbm>> -> memref<32x1024xf32, #tpu.memory_space<hbm>>
      %dma_start3A_54 = arith.constant 0 : i32
      %dma_start3A_55 = tpu.memref_slice %arg4[%select_n3A, %add3A_50, %dma_start3A_54] : memref<4x2048x1024xf32, #tpu.memory_space<hbm>> -> memref<1x32x1024xf32, #tpu.memory_space<hbm>>
      %dma_start3A_56 = tpu.memref_squeeze %dma_start3A_55 : memref<1x32x1024xf32, #tpu.memory_space<hbm>> -> memref<32x1024xf32, #tpu.memory_space<hbm>>
      tpu.enqueue_dma source(%arg6 : memref<32x1024xf32, #tpu.memory_space<vmem>>) target(%dma_start3A_56 : memref<32x1024xf32, #tpu.memory_space<hbm>>) target_semaphore(%arg10 : memref<!tpu.dma_semaphore, #tpu.memory_space<semaphore_mem>>)
      %dma_wait3A_57 = arith.constant 0 : i32
      %dma_wait3A_58 = tpu.memref_slice %arg4[%select_n3A, %add3A_50, %dma_wait3A_57] : memref<4x2048x1024xf32, #tpu.memory_space<hbm>> -> memref<1x32x1024xf32, #tpu.memory_space<hbm>>
      %dma_wait3A_59 = tpu.memref_squeeze %dma_wait3A_58 : memref<1x32x1024xf32, #tpu.memory_space<hbm>> -> memref<32x1024xf32, #tpu.memory_space<hbm>>
      %dma_wait3A_60 = arith.constant 0 : i32
      %dma_wait3A_61 = tpu.memref_slice %arg4[%select_n3A, %add3A_50, %dma_wait3A_60] : memref<4x2048x1024xf32, #tpu.memory_space<hbm>> -> memref<1x32x1024xf32, #tpu.memory_space<hbm>>
      %dma_wait3A_62 = tpu.memref_squeeze %dma_wait3A_61 : memref<1x32x1024xf32, #tpu.memory_space<hbm>> -> memref<32x1024xf32, #tpu.memory_space<hbm>>
      tpu.wait_dma2 semaphore(%arg10 : memref<!tpu.dma_semaphore, #tpu.memory_space<semaphore_mem>>) src(%arg6 : memref<32x1024xf32, #tpu.memory_space<vmem>>) dst(%dma_wait3A_62 : memref<32x1024xf32, #tpu.memory_space<hbm>>)
      %dma_start3A_63 = arith.constant 64 : i32
      %dma_start3A_64 = tpu.memref_slice %arg5[%dma_start3A_63] : memref<512xi32, #tpu.memory_space<vmem>> -> memref<32xi32, #tpu.memory_space<vmem>>
      %dma_start3A_65 = arith.constant 0 : i32
      %dma_start3A_66 = arith.constant 0 : i32
      %dma_start3A_67 = tpu.memref_slice %arg2[%dma_start3A_65, %dma_start3A_66] : memref<100000x1024xf32, #tpu.memory_space<hbm>> -> memref<100000x1024xf32, #tpu.memory_space<hbm>>
      tpu.enqueue_indirect_dma source(%dma_start3A_67 : memref<100000x1024xf32, #tpu.memory_space<hbm>>) target(%arg6 : memref<32x1024xf32, #tpu.memory_space<vmem>>) offsets(%dma_start3A_64 : memref<32xi32, #tpu.memory_space<vmem>>) semaphore(%arg8 : memref<!tpu.dma_semaphore, #tpu.memory_space<semaphore_mem>>)
      %dma_wait3A_68 = arith.constant 32 : i32
      %dma_wait3A_69 = tpu.memref_slice %arg5[%dma_wait3A_68] : memref<512xi32, #tpu.memory_space<vmem>> -> memref<32xi32, #tpu.memory_space<vmem>>
      %dma_wait3A_70 = arith.constant 0 : i32
      %dma_wait3A_71 = arith.constant 0 : i32
      %dma_wait3A_72 = tpu.memref_slice %arg2[%dma_wait3A_70, %dma_wait3A_71] : memref<100000x1024xf32, #tpu.memory_space<hbm>> -> memref<100000x1024xf32, #tpu.memory_space<hbm>>
      tpu.wait_indirect_dma semaphore(%arg9 : memref<!tpu.dma_semaphore, #tpu.memory_space<semaphore_mem>>) src(%dma_wait3A_72 : memref<100000x1024xf32, #tpu.memory_space<hbm>>) dst(%arg7 : memref<32x1024xf32, #tpu.memory_space<vmem>>)
      %add3A_73 = arith.constant 32 : i32
      %add3A_74 = arith.addi %mul3A_32, %add3A_73 : i32
      %dma_start3A_75 = arith.constant 0 : i32
      %dma_start3A_76 = tpu.memref_slice %arg4[%select_n3A, %add3A_74, %dma_start3A_75] : memref<4x2048x1024xf32, #tpu.memory_space<hbm>> -> memref<1x32x1024xf32, #tpu.memory_space<hbm>>
      %dma_start3A_77 = tpu.memref_squeeze %dma_start3A_76 : memref<1x32x1024xf32, #tpu.memory_space<hbm>> -> memref<32x1024xf32, #tpu.memory_space<hbm>>
      %dma_start3A_78 = arith.constant 0 : i32
      %dma_start3A_79 = tpu.memref_slice %arg4[%select_n3A, %add3A_74, %dma_start3A_78] : memref<4x2048x1024xf32, #tpu.memory_space<hbm>> -> memref<1x32x1024xf32, #tpu.memory_space<hbm>>
      %dma_start3A_80 = tpu.memref_squeeze %dma_start3A_79 : memref<1x32x1024xf32, #tpu.memory_space<hbm>> -> memref<32x1024xf32, #tpu.memory_space<hbm>>
      tpu.enqueue_dma source(%arg7 : memref<32x1024xf32, #tpu.memory_space<vmem>>) target(%dma_start3A_80 : memref<32x1024xf32, #tpu.memory_space<hbm>>) target_semaphore(%arg11 : memref<!tpu.dma_semaphore, #tpu.memory_space<semaphore_mem>>)
      %dma_wait3A_81 = arith.constant 0 : i32
      %dma_wait3A_82 = tpu.memref_slice %arg4[%select_n3A, %add3A_74, %dma_wait3A_81] : memref<4x2048x1024xf32, #tpu.memory_space<hbm>> -> memref<1x32x1024xf32, #tpu.memory_space<hbm>>
      %dma_wait3A_83 = tpu.memref_squeeze %dma_wait3A_82 : memref<1x32x1024xf32, #tpu.memory_space<hbm>> -> memref<32x1024xf32, #tpu.memory_space<hbm>>
      %dma_wait3A_84 = arith.constant 0 : i32
      %dma_wait3A_85 = tpu.memref_slice %arg4[%select_n3A, %add3A_74, %dma_wait3A_84] : memref<4x2048x1024xf32, #tpu.memory_space<hbm>> -> memref<1x32x1024xf32, #tpu.memory_space<hbm>>
      %dma_wait3A_86 = tpu.memref_squeeze %dma_wait3A_85 : memref<1x32x1024xf32, #tpu.memory_space<hbm>> -> memref<32x1024xf32, #tpu.memory_space<hbm>>
      tpu.wait_dma2 semaphore(%arg11 : memref<!tpu.dma_semaphore, #tpu.memory_space<semaphore_mem>>) src(%arg7 : memref<32x1024xf32, #tpu.memory_space<vmem>>) dst(%dma_wait3A_86 : memref<32x1024xf32, #tpu.memory_space<hbm>>)
      %dma_start3A_87 = arith.constant 96 : i32
      %dma_start3A_88 = tpu.memref_slice %arg5[%dma_start3A_87] : memref<512xi32, #tpu.memory_space<vmem>> -> memref<32xi32, #tpu.memory_space<vmem>>
      %dma_start3A_89 = arith.constant 0 : i32
      %dma_start3A_90 = arith.constant 0 : i32
      %dma_start3A_91 = tpu.memref_slice %arg2[%dma_start3A_89, %dma_start3A_90] : memref<100000x1024xf32, #tpu.memory_space<hbm>> -> memref<100000x1024xf32, #tpu.memory_space<hbm>>
      tpu.enqueue_indirect_dma source(%dma_start3A_91 : memref<100000x1024xf32, #tpu.memory_space<hbm>>) target(%arg7 : memref<32x1024xf32, #tpu.memory_space<vmem>>) offsets(%dma_start3A_88 : memref<32xi32, #tpu.memory_space<vmem>>) semaphore(%arg9 : memref<!tpu.dma_semaphore, #tpu.memory_space<semaphore_mem>>)
      %dma_wait3A_92 = arith.constant 64 : i32
      %dma_wait3A_93 = tpu.memref_slice %arg5[%dma_wait3A_92] : memref<512xi32, #tpu.memory_space<vmem>> -> memref<32xi32, #tpu.memory_space<vmem>>
      %dma_wait3A_94 = arith.constant 0 : i32
      %dma_wait3A_95 = arith.constant 0 : i32
      %dma_wait3A_96 = tpu.memref_slice %arg2[%dma_wait3A_94, %dma_wait3A_95] : memref<100000x1024xf32, #tpu.memory_space<hbm>> -> memref<100000x1024xf32, #tpu.memory_space<hbm>>
      tpu.wait_indirect_dma semaphore(%arg8 : memref<!tpu.dma_semaphore, #tpu.memory_space<semaphore_mem>>) src(%dma_wait3A_96 : memref<100000x1024xf32, #tpu.memory_space<hbm>>) dst(%arg6 : memref<32x1024xf32, #tpu.memory_space<vmem>>)
      %add3A_97 = arith.constant 64 : i32
      %add3A_98 = arith.addi %mul3A_32, %add3A_97 : i32
      %dma_start3A_99 = arith.constant 0 : i32
      %dma_start3A_100 = tpu.memref_slice %arg4[%select_n3A, %add3A_98, %dma_start3A_99] : memref<4x2048x1024xf32, #tpu.memory_space<hbm>> -> memref<1x32x1024xf32, #tpu.memory_space<hbm>>
      %dma_start3A_101 = tpu.memref_squeeze %dma_start3A_100 : memref<1x32x1024xf32, #tpu.memory_space<hbm>> -> memref<32x1024xf32, #tpu.memory_space<hbm>>
      %dma_start3A_102 = arith.constant 0 : i32
      %dma_start3A_103 = tpu.memref_slice %arg4[%select_n3A, %add3A_98, %dma_start3A_102] : memref<4x2048x1024xf32, #tpu.memory_space<hbm>> -> memref<1x32x1024xf32, #tpu.memory_space<hbm>>
      %dma_start3A_104 = tpu.memref_squeeze %dma_start3A_103 : memref<1x32x1024xf32, #tpu.memory_space<hbm>> -> memref<32x1024xf32, #tpu.memory_space<hbm>>
      tpu.enqueue_dma source(%arg6 : memref<32x1024xf32, #tpu.memory_space<vmem>>) target(%dma_start3A_104 : memref<32x1024xf32, #tpu.memory_space<hbm>>) target_semaphore(%arg10 : memref<!tpu.dma_semaphore, #tpu.memory_space<semaphore_mem>>)
      %dma_wait3A_105 = arith.constant 0 : i32
      %dma_wait3A_106 = tpu.memref_slice %arg4[%select_n3A, %add3A_98, %dma_wait3A_105] : memref<4x2048x1024xf32, #tpu.memory_space<hbm>> -> memref<1x32x1024xf32, #tpu.memory_space<hbm>>
      %dma_wait3A_107 = tpu.memref_squeeze %dma_wait3A_106 : memref<1x32x1024xf32, #tpu.memory_space<hbm>> -> memref<32x1024xf32, #tpu.memory_space<hbm>>
      %dma_wait3A_108 = arith.constant 0 : i32
      %dma_wait3A_109 = tpu.memref_slice %arg4[%select_n3A, %add3A_98, %dma_wait3A_108] : memref<4x2048x1024xf32, #tpu.memory_space<hbm>> -> memref<1x32x1024xf32, #tpu.memory_space<hbm>>
      %dma_wait3A_110 = tpu.memref_squeeze %dma_wait3A_109 : memref<1x32x1024xf32, #tpu.memory_space<hbm>> -> memref<32x1024xf32, #tpu.memory_space<hbm>>
      tpu.wait_dma2 semaphore(%arg10 : memref<!tpu.dma_semaphore, #tpu.memory_space<semaphore_mem>>) src(%arg6 : memref<32x1024xf32, #tpu.memory_space<vmem>>) dst(%dma_wait3A_110 : memref<32x1024xf32, #tpu.memory_space<hbm>>)
      %dma_start3A_111 = arith.constant 128 : i32
      %dma_start3A_112 = tpu.memref_slice %arg5[%dma_start3A_111] : memref<512xi32, #tpu.memory_space<vmem>> -> memref<32xi32, #tpu.memory_space<vmem>>
      %dma_start3A_113 = arith.constant 0 : i32
      %dma_start3A_114 = arith.constant 0 : i32
      %dma_start3A_115 = tpu.memref_slice %arg2[%dma_start3A_113, %dma_start3A_114] : memref<100000x1024xf32, #tpu.memory_space<hbm>> -> memref<100000x1024xf32, #tpu.memory_space<hbm>>
      tpu.enqueue_indirect_dma source(%dma_start3A_115 : memref<100000x1024xf32, #tpu.memory_space<hbm>>) target(%arg6 : memref<32x1024xf32, #tpu.memory_space<vmem>>) offsets(%dma_start3A_112 : memref<32xi32, #tpu.memory_space<vmem>>) semaphore(%arg8 : memref<!tpu.dma_semaphore, #tpu.memory_space<semaphore_mem>>)
      %dma_wait3A_116 = arith.constant 96 : i32
      %dma_wait3A_117 = tpu.memref_slice %arg5[%dma_wait3A_116] : memref<512xi32, #tpu.memory_space<vmem>> -> memref<32xi32, #tpu.memory_space<vmem>>
      %dma_wait3A_118 = arith.constant 0 : i32
      %dma_wait3A_119 = arith.constant 0 : i32
      %dma_wait3A_120 = tpu.memref_slice %arg2[%dma_wait3A_118, %dma_wait3A_119] : memref<100000x1024xf32, #tpu.memory_space<hbm>> -> memref<100000x1024xf32, #tpu.memory_space<hbm>>
      tpu.wait_indirect_dma semaphore(%arg9 : memref<!tpu.dma_semaphore, #tpu.memory_space<semaphore_mem>>) src(%dma_wait3A_120 : memref<100000x1024xf32, #tpu.memory_space<hbm>>) dst(%arg7 : memref<32x1024xf32, #tpu.memory_space<vmem>>)
      %add3A_121 = arith.constant 96 : i32
      %add3A_122 = arith.addi %mul3A_32, %add3A_121 : i32
      %dma_start3A_123 = arith.constant 0 : i32
      %dma_start3A_124 = tpu.memref_slice %arg4[%select_n3A, %add3A_122, %dma_start3A_123] : memref<4x2048x1024xf32, #tpu.memory_space<hbm>> -> memref<1x32x1024xf32, #tpu.memory_space<hbm>>
      %dma_start3A_125 = tpu.memref_squeeze %dma_start3A_124 : memref<1x32x1024xf32, #tpu.memory_space<hbm>> -> memref<32x1024xf32, #tpu.memory_space<hbm>>
      %dma_start3A_126 = arith.constant 0 : i32
      %dma_start3A_127 = tpu.memref_slice %arg4[%select_n3A, %add3A_122, %dma_start3A_126] : memref<4x2048x1024xf32, #tpu.memory_space<hbm>> -> memref<1x32x1024xf32, #tpu.memory_space<hbm>>
      %dma_start3A_128 = tpu.memref_squeeze %dma_start3A_127 : memref<1x32x1024xf32, #tpu.memory_space<hbm>> -> memref<32x1024xf32, #tpu.memory_space<hbm>>
      tpu.enqueue_dma source(%arg7 : memref<32x1024xf32, #tpu.memory_space<vmem>>) target(%dma_start3A_128 : memref<32x1024xf32, #tpu.memory_space<hbm>>) target_semaphore(%arg11 : memref<!tpu.dma_semaphore, #tpu.memory_space<semaphore_mem>>)
      %dma_wait3A_129 = arith.constant 0 : i32
      %dma_wait3A_130 = tpu.memref_slice %arg4[%select_n3A, %add3A_122, %dma_wait3A_129] : memref<4x2048x1024xf32, #tpu.memory_space<hbm>> -> memref<1x32x1024xf32, #tpu.memory_space<hbm>>
      %dma_wait3A_131 = tpu.memref_squeeze %dma_wait3A_130 : memref<1x32x1024xf32, #tpu.memory_space<hbm>> -> memref<32x1024xf32, #tpu.memory_space<hbm>>
      %dma_wait3A_132 = arith.constant 0 : i32
      %dma_wait3A_133 = tpu.memref_slice %arg4[%select_n3A, %add3A_122, %dma_wait3A_132] : memref<4x2048x1024xf32, #tpu.memory_space<hbm>> -> memref<1x32x1024xf32, #tpu.memory_space<hbm>>
      %dma_wait3A_134 = tpu.memref_squeeze %dma_wait3A_133 : memref<1x32x1024xf32, #tpu.memory_space<hbm>> -> memref<32x1024xf32, #tpu.memory_space<hbm>>
      tpu.wait_dma2 semaphore(%arg11 : memref<!tpu.dma_semaphore, #tpu.memory_space<semaphore_mem>>) src(%arg7 : memref<32x1024xf32, #tpu.memory_space<vmem>>) dst(%dma_wait3A_134 : memref<32x1024xf32, #tpu.memory_space<hbm>>)
      %dma_start3A_135 = arith.constant 160 : i32
      %dma_start3A_136 = tpu.memref_slice %arg5[%dma_start3A_135] : memref<512xi32, #tpu.memory_space<vmem>> -> memref<32xi32, #tpu.memory_space<vmem>>
      %dma_start3A_137 = arith.constant 0 : i32
      %dma_start3A_138 = arith.constant 0 : i32
      %dma_start3A_139 = tpu.memref_slice %arg2[%dma_start3A_137, %dma_start3A_138] : memref<100000x1024xf32, #tpu.memory_space<hbm>> -> memref<100000x1024xf32, #tpu.memory_space<hbm>>
      tpu.enqueue_indirect_dma source(%dma_start3A_139 : memref<100000x1024xf32, #tpu.memory_space<hbm>>) target(%arg7 : memref<32x1024xf32, #tpu.memory_space<vmem>>) offsets(%dma_start3A_136 : memref<32xi32, #tpu.memory_space<vmem>>) semaphore(%arg9 : memref<!tpu.dma_semaphore, #tpu.memory_space<semaphore_mem>>)
      %dma_wait3A_140 = arith.constant 128 : i32
      %dma_wait3A_141 = tpu.memref_slice %arg5[%dma_wait3A_140] : memref<512xi32, #tpu.memory_space<vmem>> -> memref<32xi32, #tpu.memory_space<vmem>>
      %dma_wait3A_142 = arith.constant 0 : i32
      %dma_wait3A_143 = arith.constant 0 : i32
      %dma_wait3A_144 = tpu.memref_slice %arg2[%dma_wait3A_142, %dma_wait3A_143] : memref<100000x1024xf32, #tpu.memory_space<hbm>> -> memref<100000x1024xf32, #tpu.memory_space<hbm>>
      tpu.wait_indirect_dma semaphore(%arg8 : memref<!tpu.dma_semaphore, #tpu.memory_space<semaphore_mem>>) src(%dma_wait3A_144 : memref<100000x1024xf32, #tpu.memory_space<hbm>>) dst(%arg6 : memref<32x1024xf32, #tpu.memory_space<vmem>>)
      %add3A_145 = arith.constant 128 : i32
      %add3A_146 = arith.addi %mul3A_32, %add3A_145 : i32
      %dma_start3A_147 = arith.constant 0 : i32
      %dma_start3A_148 = tpu.memref_slice %arg4[%select_n3A, %add3A_146, %dma_start3A_147] : memref<4x2048x1024xf32, #tpu.memory_space<hbm>> -> memref<1x32x1024xf32, #tpu.memory_space<hbm>>
      %dma_start3A_149 = tpu.memref_squeeze %dma_start3A_148 : memref<1x32x1024xf32, #tpu.memory_space<hbm>> -> memref<32x1024xf32, #tpu.memory_space<hbm>>
      %dma_start3A_150 = arith.constant 0 : i32
      %dma_start3A_151 = tpu.memref_slice %arg4[%select_n3A, %add3A_146, %dma_start3A_150] : memref<4x2048x1024xf32, #tpu.memory_space<hbm>> -> memref<1x32x1024xf32, #tpu.memory_space<hbm>>
      %dma_start3A_152 = tpu.memref_squeeze %dma_start3A_151 : memref<1x32x1024xf32, #tpu.memory_space<hbm>> -> memref<32x1024xf32, #tpu.memory_space<hbm>>
      tpu.enqueue_dma source(%arg6 : memref<32x1024xf32, #tpu.memory_space<vmem>>) target(%dma_start3A_152 : memref<32x1024xf32, #tpu.memory_space<hbm>>) target_semaphore(%arg10 : memref<!tpu.dma_semaphore, #tpu.memory_space<semaphore_mem>>)
      %dma_wait3A_153 = arith.constant 0 : i32
      %dma_wait3A_154 = tpu.memref_slice %arg4[%select_n3A, %add3A_146, %dma_wait3A_153] : memref<4x2048x1024xf32, #tpu.memory_space<hbm>> -> memref<1x32x1024xf32, #tpu.memory_space<hbm>>
      %dma_wait3A_155 = tpu.memref_squeeze %dma_wait3A_154 : memref<1x32x1024xf32, #tpu.memory_space<hbm>> -> memref<32x1024xf32, #tpu.memory_space<hbm>>
      %dma_wait3A_156 = arith.constant 0 : i32
      %dma_wait3A_157 = tpu.memref_slice %arg4[%select_n3A, %add3A_146, %dma_wait3A_156] : memref<4x2048x1024xf32, #tpu.memory_space<hbm>> -> memref<1x32x1024xf32, #tpu.memory_space<hbm>>
      %dma_wait3A_158 = tpu.memref_squeeze %dma_wait3A_157 : memref<1x32x1024xf32, #tpu.memory_space<hbm>> -> memref<32x1024xf32, #tpu.memory_space<hbm>>
      tpu.wait_dma2 semaphore(%arg10 : memref<!tpu.dma_semaphore, #tpu.memory_space<semaphore_mem>>) src(%arg6 : memref<32x1024xf32, #tpu.memory_space<vmem>>) dst(%dma_wait3A_158 : memref<32x1024xf32, #tpu.memory_space<hbm>>)
      %dma_start3A_159 = arith.constant 192 : i32
      %dma_start3A_160 = tpu.memref_slice %arg5[%dma_start3A_159] : memref<512xi32, #tpu.memory_space<vmem>> -> memref<32xi32, #tpu.memory_space<vmem>>
      %dma_start3A_161 = arith.constant 0 : i32
      %dma_start3A_162 = arith.constant 0 : i32
      %dma_start3A_163 = tpu.memref_slice %arg2[%dma_start3A_161, %dma_start3A_162] : memref<100000x1024xf32, #tpu.memory_space<hbm>> -> memref<100000x1024xf32, #tpu.memory_space<hbm>>
      tpu.enqueue_indirect_dma source(%dma_start3A_163 : memref<100000x1024xf32, #tpu.memory_space<hbm>>) target(%arg6 : memref<32x1024xf32, #tpu.memory_space<vmem>>) offsets(%dma_start3A_160 : memref<32xi32, #tpu.memory_space<vmem>>) semaphore(%arg8 : memref<!tpu.dma_semaphore, #tpu.memory_space<semaphore_mem>>)
      %dma_wait3A_164 = arith.constant 160 : i32
      %dma_wait3A_165 = tpu.memref_slice %arg5[%dma_wait3A_164] : memref<512xi32, #tpu.memory_space<vmem>> -> memref<32xi32, #tpu.memory_space<vmem>>
      %dma_wait3A_166 = arith.constant 0 : i32
      %dma_wait3A_167 = arith.constant 0 : i32
      %dma_wait3A_168 = tpu.memref_slice %arg2[%dma_wait3A_166, %dma_wait3A_167] : memref<100000x1024xf32, #tpu.memory_space<hbm>> -> memref<100000x1024xf32, #tpu.memory_space<hbm>>
      tpu.wait_indirect_dma semaphore(%arg9 : memref<!tpu.dma_semaphore, #tpu.memory_space<semaphore_mem>>) src(%dma_wait3A_168 : memref<100000x1024xf32, #tpu.memory_space<hbm>>) dst(%arg7 : memref<32x1024xf32, #tpu.memory_space<vmem>>)
      %add3A_169 = arith.constant 160 : i32
      %add3A_170 = arith.addi %mul3A_32, %add3A_169 : i32
      %dma_start3A_171 = arith.constant 0 : i32
      %dma_start3A_172 = tpu.memref_slice %arg4[%select_n3A, %add3A_170, %dma_start3A_171] : memref<4x2048x1024xf32, #tpu.memory_space<hbm>> -> memref<1x32x1024xf32, #tpu.memory_space<hbm>>
      %dma_start3A_173 = tpu.memref_squeeze %dma_start3A_172 : memref<1x32x1024xf32, #tpu.memory_space<hbm>> -> memref<32x1024xf32, #tpu.memory_space<hbm>>
      %dma_start3A_174 = arith.constant 0 : i32
      %dma_start3A_175 = tpu.memref_slice %arg4[%select_n3A, %add3A_170, %dma_start3A_174] : memref<4x2048x1024xf32, #tpu.memory_space<hbm>> -> memref<1x32x1024xf32, #tpu.memory_space<hbm>>
      %dma_start3A_176 = tpu.memref_squeeze %dma_start3A_175 : memref<1x32x1024xf32, #tpu.memory_space<hbm>> -> memref<32x1024xf32, #tpu.memory_space<hbm>>
      tpu.enqueue_dma source(%arg7 : memref<32x1024xf32, #tpu.memory_space<vmem>>) target(%dma_start3A_176 : memref<32x1024xf32, #tpu.memory_space<hbm>>) target_semaphore(%arg11 : memref<!tpu.dma_semaphore, #tpu.memory_space<semaphore_mem>>)
      %dma_wait3A_177 = arith.constant 0 : i32
      %dma_wait3A_178 = tpu.memref_slice %arg4[%select_n3A, %add3A_170, %dma_wait3A_177] : memref<4x2048x1024xf32, #tpu.memory_space<hbm>> -> memref<1x32x1024xf32, #tpu.memory_space<hbm>>
      %dma_wait3A_179 = tpu.memref_squeeze %dma_wait3A_178 : memref<1x32x1024xf32, #tpu.memory_space<hbm>> -> memref<32x1024xf32, #tpu.memory_space<hbm>>
      %dma_wait3A_180 = arith.constant 0 : i32
      %dma_wait3A_181 = tpu.memref_slice %arg4[%select_n3A, %add3A_170, %dma_wait3A_180] : memref<4x2048x1024xf32, #tpu.memory_space<hbm>> -> memref<1x32x1024xf32, #tpu.memory_space<hbm>>
      %dma_wait3A_182 = tpu.memref_squeeze %dma_wait3A_181 : memref<1x32x1024xf32, #tpu.memory_space<hbm>> -> memref<32x1024xf32, #tpu.memory_space<hbm>>
      tpu.wait_dma2 semaphore(%arg11 : memref<!tpu.dma_semaphore, #tpu.memory_space<semaphore_mem>>) src(%arg7 : memref<32x1024xf32, #tpu.memory_space<vmem>>) dst(%dma_wait3A_182 : memref<32x1024xf32, #tpu.memory_space<hbm>>)
      %dma_start3A_183 = arith.constant 224 : i32
      %dma_start3A_184 = tpu.memref_slice %arg5[%dma_start3A_183] : memref<512xi32, #tpu.memory_space<vmem>> -> memref<32xi32, #tpu.memory_space<vmem>>
      %dma_start3A_185 = arith.constant 0 : i32
      %dma_start3A_186 = arith.constant 0 : i32
      %dma_start3A_187 = tpu.memref_slice %arg2[%dma_start3A_185, %dma_start3A_186] : memref<100000x1024xf32, #tpu.memory_space<hbm>> -> memref<100000x1024xf32, #tpu.memory_space<hbm>>
      tpu.enqueue_indirect_dma source(%dma_start3A_187 : memref<100000x1024xf32, #tpu.memory_space<hbm>>) target(%arg7 : memref<32x1024xf32, #tpu.memory_space<vmem>>) offsets(%dma_start3A_184 : memref<32xi32, #tpu.memory_space<vmem>>) semaphore(%arg9 : memref<!tpu.dma_semaphore, #tpu.memory_space<semaphore_mem>>)
      %dma_wait3A_188 = arith.constant 192 : i32
      %dma_wait3A_189 = tpu.memref_slice %arg5[%dma_wait3A_188] : memref<512xi32, #tpu.memory_space<vmem>> -> memref<32xi32, #tpu.memory_space<vmem>>
      %dma_wait3A_190 = arith.constant 0 : i32
      %dma_wait3A_191 = arith.constant 0 : i32
      %dma_wait3A_192 = tpu.memref_slice %arg2[%dma_wait3A_190, %dma_wait3A_191] : memref<100000x1024xf32, #tpu.memory_space<hbm>> -> memref<100000x1024xf32, #tpu.memory_space<hbm>>
      tpu.wait_indirect_dma semaphore(%arg8 : memref<!tpu.dma_semaphore, #tpu.memory_space<semaphore_mem>>) src(%dma_wait3A_192 : memref<100000x1024xf32, #tpu.memory_space<hbm>>) dst(%arg6 : memref<32x1024xf32, #tpu.memory_space<vmem>>)
      %add3A_193 = arith.constant 192 : i32
      %add3A_194 = arith.addi %mul3A_32, %add3A_193 : i32
      %dma_start3A_195 = arith.constant 0 : i32
      %dma_start3A_196 = tpu.memref_slice %arg4[%select_n3A, %add3A_194, %dma_start3A_195] : memref<4x2048x1024xf32, #tpu.memory_space<hbm>> -> memref<1x32x1024xf32, #tpu.memory_space<hbm>>
      %dma_start3A_197 = tpu.memref_squeeze %dma_start3A_196 : memref<1x32x1024xf32, #tpu.memory_space<hbm>> -> memref<32x1024xf32, #tpu.memory_space<hbm>>
      %dma_start3A_198 = arith.constant 0 : i32
      %dma_start3A_199 = tpu.memref_slice %arg4[%select_n3A, %add3A_194, %dma_start3A_198] : memref<4x2048x1024xf32, #tpu.memory_space<hbm>> -> memref<1x32x1024xf32, #tpu.memory_space<hbm>>
      %dma_start3A_200 = tpu.memref_squeeze %dma_start3A_199 : memref<1x32x1024xf32, #tpu.memory_space<hbm>> -> memref<32x1024xf32, #tpu.memory_space<hbm>>
      tpu.enqueue_dma source(%arg6 : memref<32x1024xf32, #tpu.memory_space<vmem>>) target(%dma_start3A_200 : memref<32x1024xf32, #tpu.memory_space<hbm>>) target_semaphore(%arg10 : memref<!tpu.dma_semaphore, #tpu.memory_space<semaphore_mem>>)
      %dma_wait3A_201 = arith.constant 0 : i32
      %dma_wait3A_202 = tpu.memref_slice %arg4[%select_n3A, %add3A_194, %dma_wait3A_201] : memref<4x2048x1024xf32, #tpu.memory_space<hbm>> -> memref<1x32x1024xf32, #tpu.memory_space<hbm>>
      %dma_wait3A_203 = tpu.memref_squeeze %dma_wait3A_202 : memref<1x32x1024xf32, #tpu.memory_space<hbm>> -> memref<32x1024xf32, #tpu.memory_space<hbm>>
      %dma_wait3A_204 = arith.constant 0 : i32
      %dma_wait3A_205 = tpu.memref_slice %arg4[%select_n3A, %add3A_194, %dma_wait3A_204] : memref<4x2048x1024xf32, #tpu.memory_space<hbm>> -> memref<1x32x1024xf32, #tpu.memory_space<hbm>>
      %dma_wait3A_206 = tpu.memref_squeeze %dma_wait3A_205 : memref<1x32x1024xf32, #tpu.memory_space<hbm>> -> memref<32x1024xf32, #tpu.memory_space<hbm>>
      tpu.wait_dma2 semaphore(%arg10 : memref<!tpu.dma_semaphore, #tpu.memory_space<semaphore_mem>>) src(%arg6 : memref<32x1024xf32, #tpu.memory_space<vmem>>) dst(%dma_wait3A_206 : memref<32x1024xf32, #tpu.memory_space<hbm>>)
      %dma_start3A_207 = arith.constant 256 : i32
      %dma_start3A_208 = tpu.memref_slice %arg5[%dma_start3A_207] : memref<512xi32, #tpu.memory_space<vmem>> -> memref<32xi32, #tpu.memory_space<vmem>>
      %dma_start3A_209 = arith.constant 0 : i32
      %dma_start3A_210 = arith.constant 0 : i32
      %dma_start3A_211 = tpu.memref_slice %arg2[%dma_start3A_209, %dma_start3A_210] : memref<100000x1024xf32, #tpu.memory_space<hbm>> -> memref<100000x1024xf32, #tpu.memory_space<hbm>>
      tpu.enqueue_indirect_dma source(%dma_start3A_211 : memref<100000x1024xf32, #tpu.memory_space<hbm>>) target(%arg6 : memref<32x1024xf32, #tpu.memory_space<vmem>>) offsets(%dma_start3A_208 : memref<32xi32, #tpu.memory_space<vmem>>) semaphore(%arg8 : memref<!tpu.dma_semaphore, #tpu.memory_space<semaphore_mem>>)
      %dma_wait3A_212 = arith.constant 224 : i32
      %dma_wait3A_213 = tpu.memref_slice %arg5[%dma_wait3A_212] : memref<512xi32, #tpu.memory_space<vmem>> -> memref<32xi32, #tpu.memory_space<vmem>>
      %dma_wait3A_214 = arith.constant 0 : i32
      %dma_wait3A_215 = arith.constant 0 : i32
      %dma_wait3A_216 = tpu.memref_slice %arg2[%dma_wait3A_214, %dma_wait3A_215] : memref<100000x1024xf32, #tpu.memory_space<hbm>> -> memref<100000x1024xf32, #tpu.memory_space<hbm>>
      tpu.wait_indirect_dma semaphore(%arg9 : memref<!tpu.dma_semaphore, #tpu.memory_space<semaphore_mem>>) src(%dma_wait3A_216 : memref<100000x1024xf32, #tpu.memory_space<hbm>>) dst(%arg7 : memref<32x1024xf32, #tpu.memory_space<vmem>>)
      %add3A_217 = arith.constant 224 : i32
      %add3A_218 = arith.addi %mul3A_32, %add3A_217 : i32
      %dma_start3A_219 = arith.constant 0 : i32
      %dma_start3A_220 = tpu.memref_slice %arg4[%select_n3A, %add3A_218, %dma_start3A_219] : memref<4x2048x1024xf32, #tpu.memory_space<hbm>> -> memref<1x32x1024xf32, #tpu.memory_space<hbm>>
      %dma_start3A_221 = tpu.memref_squeeze %dma_start3A_220 : memref<1x32x1024xf32, #tpu.memory_space<hbm>> -> memref<32x1024xf32, #tpu.memory_space<hbm>>
      %dma_start3A_222 = arith.constant 0 : i32
      %dma_start3A_223 = tpu.memref_slice %arg4[%select_n3A, %add3A_218, %dma_start3A_222] : memref<4x2048x1024xf32, #tpu.memory_space<hbm>> -> memref<1x32x1024xf32, #tpu.memory_space<hbm>>
      %dma_start3A_224 = tpu.memref_squeeze %dma_start3A_223 : memref<1x32x1024xf32, #tpu.memory_space<hbm>> -> memref<32x1024xf32, #tpu.memory_space<hbm>>
      tpu.enqueue_dma source(%arg7 : memref<32x1024xf32, #tpu.memory_space<vmem>>) target(%dma_start3A_224 : memref<32x1024xf32, #tpu.memory_space<hbm>>) target_semaphore(%arg11 : memref<!tpu.dma_semaphore, #tpu.memory_space<semaphore_mem>>)
      %dma_wait3A_225 = arith.constant 0 : i32
      %dma_wait3A_226 = tpu.memref_slice %arg4[%select_n3A, %add3A_218, %dma_wait3A_225] : memref<4x2048x1024xf32, #tpu.memory_space<hbm>> -> memref<1x32x1024xf32, #tpu.memory_space<hbm>>
      %dma_wait3A_227 = tpu.memref_squeeze %dma_wait3A_226 : memref<1x32x1024xf32, #tpu.memory_space<hbm>> -> memref<32x1024xf32, #tpu.memory_space<hbm>>
      %dma_wait3A_228 = arith.constant 0 : i32
      %dma_wait3A_229 = tpu.memref_slice %arg4[%select_n3A, %add3A_218, %dma_wait3A_228] : memref<4x2048x1024xf32, #tpu.memory_space<hbm>> -> memref<1x32x1024xf32, #tpu.memory_space<hbm>>
      %dma_wait3A_230 = tpu.memref_squeeze %dma_wait3A_229 : memref<1x32x1024xf32, #tpu.memory_space<hbm>> -> memref<32x1024xf32, #tpu.memory_space<hbm>>
      tpu.wait_dma2 semaphore(%arg11 : memref<!tpu.dma_semaphore, #tpu.memory_space<semaphore_mem>>) src(%arg7 : memref<32x1024xf32, #tpu.memory_space<vmem>>) dst(%dma_wait3A_230 : memref<32x1024xf32, #tpu.memory_space<hbm>>)
      %dma_start3A_231 = arith.constant 288 : i32
      %dma_start3A_232 = tpu.memref_slice %arg5[%dma_start3A_231] : memref<512xi32, #tpu.memory_space<vmem>> -> memref<32xi32, #tpu.memory_space<vmem>>
      %dma_start3A_233 = arith.constant 0 : i32
      %dma_start3A_234 = arith.constant 0 : i32
      %dma_start3A_235 = tpu.memref_slice %arg2[%dma_start3A_233, %dma_start3A_234] : memref<100000x1024xf32, #tpu.memory_space<hbm>> -> memref<100000x1024xf32, #tpu.memory_space<hbm>>
      tpu.enqueue_indirect_dma source(%dma_start3A_235 : memref<100000x1024xf32, #tpu.memory_space<hbm>>) target(%arg7 : memref<32x1024xf32, #tpu.memory_space<vmem>>) offsets(%dma_start3A_232 : memref<32xi32, #tpu.memory_space<vmem>>) semaphore(%arg9 : memref<!tpu.dma_semaphore, #tpu.memory_space<semaphore_mem>>)
      %dma_wait3A_236 = arith.constant 256 : i32
      %dma_wait3A_237 = tpu.memref_slice %arg5[%dma_wait3A_236] : memref<512xi32, #tpu.memory_space<vmem>> -> memref<32xi32, #tpu.memory_space<vmem>>
      %dma_wait3A_238 = arith.constant 0 : i32
      %dma_wait3A_239 = arith.constant 0 : i32
      %dma_wait3A_240 = tpu.memref_slice %arg2[%dma_wait3A_238, %dma_wait3A_239] : memref<100000x1024xf32, #tpu.memory_space<hbm>> -> memref<100000x1024xf32, #tpu.memory_space<hbm>>
      tpu.wait_indirect_dma semaphore(%arg8 : memref<!tpu.dma_semaphore, #tpu.memory_space<semaphore_mem>>) src(%dma_wait3A_240 : memref<100000x1024xf32, #tpu.memory_space<hbm>>) dst(%arg6 : memref<32x1024xf32, #tpu.memory_space<vmem>>)
      %add3A_241 = arith.constant 256 : i32
      %add3A_242 = arith.addi %mul3A_32, %add3A_241 : i32
      %dma_start3A_243 = arith.constant 0 : i32
      %dma_start3A_244 = tpu.memref_slice %arg4[%select_n3A, %add3A_242, %dma_start3A_243] : memref<4x2048x1024xf32, #tpu.memory_space<hbm>> -> memref<1x32x1024xf32, #tpu.memory_space<hbm>>
      %dma_start3A_245 = tpu.memref_squeeze %dma_start3A_244 : memref<1x32x1024xf32, #tpu.memory_space<hbm>> -> memref<32x1024xf32, #tpu.memory_space<hbm>>
      %dma_start3A_246 = arith.constant 0 : i32
      %dma_start3A_247 = tpu.memref_slice %arg4[%select_n3A, %add3A_242, %dma_start3A_246] : memref<4x2048x1024xf32, #tpu.memory_space<hbm>> -> memref<1x32x1024xf32, #tpu.memory_space<hbm>>
      %dma_start3A_248 = tpu.memref_squeeze %dma_start3A_247 : memref<1x32x1024xf32, #tpu.memory_space<hbm>> -> memref<32x1024xf32, #tpu.memory_space<hbm>>
      tpu.enqueue_dma source(%arg6 : memref<32x1024xf32, #tpu.memory_space<vmem>>) target(%dma_start3A_248 : memref<32x1024xf32, #tpu.memory_space<hbm>>) target_semaphore(%arg10 : memref<!tpu.dma_semaphore, #tpu.memory_space<semaphore_mem>>)
      %dma_wait3A_249 = arith.constant 0 : i32
      %dma_wait3A_250 = tpu.memref_slice %arg4[%select_n3A, %add3A_242, %dma_wait3A_249] : memref<4x2048x1024xf32, #tpu.memory_space<hbm>> -> memref<1x32x1024xf32, #tpu.memory_space<hbm>>
      %dma_wait3A_251 = tpu.memref_squeeze %dma_wait3A_250 : memref<1x32x1024xf32, #tpu.memory_space<hbm>> -> memref<32x1024xf32, #tpu.memory_space<hbm>>
      %dma_wait3A_252 = arith.constant 0 : i32
      %dma_wait3A_253 = tpu.memref_slice %arg4[%select_n3A, %add3A_242, %dma_wait3A_252] : memref<4x2048x1024xf32, #tpu.memory_space<hbm>> -> memref<1x32x1024xf32, #tpu.memory_space<hbm>>
      %dma_wait3A_254 = tpu.memref_squeeze %dma_wait3A_253 : memref<1x32x1024xf32, #tpu.memory_space<hbm>> -> memref<32x1024xf32, #tpu.memory_space<hbm>>
      tpu.wait_dma2 semaphore(%arg10 : memref<!tpu.dma_semaphore, #tpu.memory_space<semaphore_mem>>) src(%arg6 : memref<32x1024xf32, #tpu.memory_space<vmem>>) dst(%dma_wait3A_254 : memref<32x1024xf32, #tpu.memory_space<hbm>>)
      %dma_start3A_255 = arith.constant 320 : i32
      %dma_start3A_256 = tpu.memref_slice %arg5[%dma_start3A_255] : memref<512xi32, #tpu.memory_space<vmem>> -> memref<32xi32, #tpu.memory_space<vmem>>
      %dma_start3A_257 = arith.constant 0 : i32
      %dma_start3A_258 = arith.constant 0 : i32
      %dma_start3A_259 = tpu.memref_slice %arg2[%dma_start3A_257, %dma_start3A_258] : memref<100000x1024xf32, #tpu.memory_space<hbm>> -> memref<100000x1024xf32, #tpu.memory_space<hbm>>
      tpu.enqueue_indirect_dma source(%dma_start3A_259 : memref<100000x1024xf32, #tpu.memory_space<hbm>>) target(%arg6 : memref<32x1024xf32, #tpu.memory_space<vmem>>) offsets(%dma_start3A_256 : memref<32xi32, #tpu.memory_space<vmem>>) semaphore(%arg8 : memref<!tpu.dma_semaphore, #tpu.memory_space<semaphore_mem>>)
      %dma_wait3A_260 = arith.constant 288 : i32
      %dma_wait3A_261 = tpu.memref_slice %arg5[%dma_wait3A_260] : memref<512xi32, #tpu.memory_space<vmem>> -> memref<32xi32, #tpu.memory_space<vmem>>
      %dma_wait3A_262 = arith.constant 0 : i32
      %dma_wait3A_263 = arith.constant 0 : i32
      %dma_wait3A_264 = tpu.memref_slice %arg2[%dma_wait3A_262, %dma_wait3A_263] : memref<100000x1024xf32, #tpu.memory_space<hbm>> -> memref<100000x1024xf32, #tpu.memory_space<hbm>>
      tpu.wait_indirect_dma semaphore(%arg9 : memref<!tpu.dma_semaphore, #tpu.memory_space<semaphore_mem>>) src(%dma_wait3A_264 : memref<100000x1024xf32, #tpu.memory_space<hbm>>) dst(%arg7 : memref<32x1024xf32, #tpu.memory_space<vmem>>)
      %add3A_265 = arith.constant 288 : i32
      %add3A_266 = arith.addi %mul3A_32, %add3A_265 : i32
      %dma_start3A_267 = arith.constant 0 : i32
      %dma_start3A_268 = tpu.memref_slice %arg4[%select_n3A, %add3A_266, %dma_start3A_267] : memref<4x2048x1024xf32, #tpu.memory_space<hbm>> -> memref<1x32x1024xf32, #tpu.memory_space<hbm>>
      %dma_start3A_269 = tpu.memref_squeeze %dma_start3A_268 : memref<1x32x1024xf32, #tpu.memory_space<hbm>> -> memref<32x1024xf32, #tpu.memory_space<hbm>>
      %dma_start3A_270 = arith.constant 0 : i32
      %dma_start3A_271 = tpu.memref_slice %arg4[%select_n3A, %add3A_266, %dma_start3A_270] : memref<4x2048x1024xf32, #tpu.memory_space<hbm>> -> memref<1x32x1024xf32, #tpu.memory_space<hbm>>
      %dma_start3A_272 = tpu.memref_squeeze %dma_start3A_271 : memref<1x32x1024xf32, #tpu.memory_space<hbm>> -> memref<32x1024xf32, #tpu.memory_space<hbm>>
      tpu.enqueue_dma source(%arg7 : memref<32x1024xf32, #tpu.memory_space<vmem>>) target(%dma_start3A_272 : memref<32x1024xf32, #tpu.memory_space<hbm>>) target_semaphore(%arg11 : memref<!tpu.dma_semaphore, #tpu.memory_space<semaphore_mem>>)
      %dma_wait3A_273 = arith.constant 0 : i32
      %dma_wait3A_274 = tpu.memref_slice %arg4[%select_n3A, %add3A_266, %dma_wait3A_273] : memref<4x2048x1024xf32, #tpu.memory_space<hbm>> -> memref<1x32x1024xf32, #tpu.memory_space<hbm>>
      %dma_wait3A_275 = tpu.memref_squeeze %dma_wait3A_274 : memref<1x32x1024xf32, #tpu.memory_space<hbm>> -> memref<32x1024xf32, #tpu.memory_space<hbm>>
      %dma_wait3A_276 = arith.constant 0 : i32
      %dma_wait3A_277 = tpu.memref_slice %arg4[%select_n3A, %add3A_266, %dma_wait3A_276] : memref<4x2048x1024xf32, #tpu.memory_space<hbm>> -> memref<1x32x1024xf32, #tpu.memory_space<hbm>>
      %dma_wait3A_278 = tpu.memref_squeeze %dma_wait3A_277 : memref<1x32x1024xf32, #tpu.memory_space<hbm>> -> memref<32x1024xf32, #tpu.memory_space<hbm>>
      tpu.wait_dma2 semaphore(%arg11 : memref<!tpu.dma_semaphore, #tpu.memory_space<semaphore_mem>>) src(%arg7 : memref<32x1024xf32, #tpu.memory_space<vmem>>) dst(%dma_wait3A_278 : memref<32x1024xf32, #tpu.memory_space<hbm>>)
      %dma_start3A_279 = arith.constant 352 : i32
      %dma_start3A_280 = tpu.memref_slice %arg5[%dma_start3A_279] : memref<512xi32, #tpu.memory_space<vmem>> -> memref<32xi32, #tpu.memory_space<vmem>>
      %dma_start3A_281 = arith.constant 0 : i32
      %dma_start3A_282 = arith.constant 0 : i32
      %dma_start3A_283 = tpu.memref_slice %arg2[%dma_start3A_281, %dma_start3A_282] : memref<100000x1024xf32, #tpu.memory_space<hbm>> -> memref<100000x1024xf32, #tpu.memory_space<hbm>>
      tpu.enqueue_indirect_dma source(%dma_start3A_283 : memref<100000x1024xf32, #tpu.memory_space<hbm>>) target(%arg7 : memref<32x1024xf32, #tpu.memory_space<vmem>>) offsets(%dma_start3A_280 : memref<32xi32, #tpu.memory_space<vmem>>) semaphore(%arg9 : memref<!tpu.dma_semaphore, #tpu.memory_space<semaphore_mem>>)
      %dma_wait3A_284 = arith.constant 320 : i32
      %dma_wait3A_285 = tpu.memref_slice %arg5[%dma_wait3A_284] : memref<512xi32, #tpu.memory_space<vmem>> -> memref<32xi32, #tpu.memory_space<vmem>>
      %dma_wait3A_286 = arith.constant 0 : i32
      %dma_wait3A_287 = arith.constant 0 : i32
      %dma_wait3A_288 = tpu.memref_slice %arg2[%dma_wait3A_286, %dma_wait3A_287] : memref<100000x1024xf32, #tpu.memory_space<hbm>> -> memref<100000x1024xf32, #tpu.memory_space<hbm>>
      tpu.wait_indirect_dma semaphore(%arg8 : memref<!tpu.dma_semaphore, #tpu.memory_space<semaphore_mem>>) src(%dma_wait3A_288 : memref<100000x1024xf32, #tpu.memory_space<hbm>>) dst(%arg6 : memref<32x1024xf32, #tpu.memory_space<vmem>>)
      %add3A_289 = arith.constant 320 : i32
      %add3A_290 = arith.addi %mul3A_32, %add3A_289 : i32
      %dma_start3A_291 = arith.constant 0 : i32
      %dma_start3A_292 = tpu.memref_slice %arg4[%select_n3A, %add3A_290, %dma_start3A_291] : memref<4x2048x1024xf32, #tpu.memory_space<hbm>> -> memref<1x32x1024xf32, #tpu.memory_space<hbm>>
      %dma_start3A_293 = tpu.memref_squeeze %dma_start3A_292 : memref<1x32x1024xf32, #tpu.memory_space<hbm>> -> memref<32x1024xf32, #tpu.memory_space<hbm>>
      %dma_start3A_294 = arith.constant 0 : i32
      %dma_start3A_295 = tpu.memref_slice %arg4[%select_n3A, %add3A_290, %dma_start3A_294] : memref<4x2048x1024xf32, #tpu.memory_space<hbm>> -> memref<1x32x1024xf32, #tpu.memory_space<hbm>>
      %dma_start3A_296 = tpu.memref_squeeze %dma_start3A_295 : memref<1x32x1024xf32, #tpu.memory_space<hbm>> -> memref<32x1024xf32, #tpu.memory_space<hbm>>
      tpu.enqueue_dma source(%arg6 : memref<32x1024xf32, #tpu.memory_space<vmem>>) target(%dma_start3A_296 : memref<32x1024xf32, #tpu.memory_space<hbm>>) target_semaphore(%arg10 : memref<!tpu.dma_semaphore, #tpu.memory_space<semaphore_mem>>)
      %dma_wait3A_297 = arith.constant 0 : i32
      %dma_wait3A_298 = tpu.memref_slice %arg4[%select_n3A, %add3A_290, %dma_wait3A_297] : memref<4x2048x1024xf32, #tpu.memory_space<hbm>> -> memref<1x32x1024xf32, #tpu.memory_space<hbm>>
      %dma_wait3A_299 = tpu.memref_squeeze %dma_wait3A_298 : memref<1x32x1024xf32, #tpu.memory_space<hbm>> -> memref<32x1024xf32, #tpu.memory_space<hbm>>
      %dma_wait3A_300 = arith.constant 0 : i32
      %dma_wait3A_301 = tpu.memref_slice %arg4[%select_n3A, %add3A_290, %dma_wait3A_300] : memref<4x2048x1024xf32, #tpu.memory_space<hbm>> -> memref<1x32x1024xf32, #tpu.memory_space<hbm>>
      %dma_wait3A_302 = tpu.memref_squeeze %dma_wait3A_301 : memref<1x32x1024xf32, #tpu.memory_space<hbm>> -> memref<32x1024xf32, #tpu.memory_space<hbm>>
      tpu.wait_dma2 semaphore(%arg10 : memref<!tpu.dma_semaphore, #tpu.memory_space<semaphore_mem>>) src(%arg6 : memref<32x1024xf32, #tpu.memory_space<vmem>>) dst(%dma_wait3A_302 : memref<32x1024xf32, #tpu.memory_space<hbm>>)
      %dma_start3A_303 = arith.constant 384 : i32
      %dma_start3A_304 = tpu.memref_slice %arg5[%dma_start3A_303] : memref<512xi32, #tpu.memory_space<vmem>> -> memref<32xi32, #tpu.memory_space<vmem>>
      %dma_start3A_305 = arith.constant 0 : i32
      %dma_start3A_306 = arith.constant 0 : i32
      %dma_start3A_307 = tpu.memref_slice %arg2[%dma_start3A_305, %dma_start3A_306] : memref<100000x1024xf32, #tpu.memory_space<hbm>> -> memref<100000x1024xf32, #tpu.memory_space<hbm>>
      tpu.enqueue_indirect_dma source(%dma_start3A_307 : memref<100000x1024xf32, #tpu.memory_space<hbm>>) target(%arg6 : memref<32x1024xf32, #tpu.memory_space<vmem>>) offsets(%dma_start3A_304 : memref<32xi32, #tpu.memory_space<vmem>>) semaphore(%arg8 : memref<!tpu.dma_semaphore, #tpu.memory_space<semaphore_mem>>)
      %dma_wait3A_308 = arith.constant 352 : i32
      %dma_wait3A_309 = tpu.memref_slice %arg5[%dma_wait3A_308] : memref<512xi32, #tpu.memory_space<vmem>> -> memref<32xi32, #tpu.memory_space<vmem>>
      %dma_wait3A_310 = arith.constant 0 : i32
      %dma_wait3A_311 = arith.constant 0 : i32
      %dma_wait3A_312 = tpu.memref_slice %arg2[%dma_wait3A_310, %dma_wait3A_311] : memref<100000x1024xf32, #tpu.memory_space<hbm>> -> memref<100000x1024xf32, #tpu.memory_space<hbm>>
      tpu.wait_indirect_dma semaphore(%arg9 : memref<!tpu.dma_semaphore, #tpu.memory_space<semaphore_mem>>) src(%dma_wait3A_312 : memref<100000x1024xf32, #tpu.memory_space<hbm>>) dst(%arg7 : memref<32x1024xf32, #tpu.memory_space<vmem>>)
      %add3A_313 = arith.constant 352 : i32
      %add3A_314 = arith.addi %mul3A_32, %add3A_313 : i32
      %dma_start3A_315 = arith.constant 0 : i32
      %dma_start3A_316 = tpu.memref_slice %arg4[%select_n3A, %add3A_314, %dma_start3A_315] : memref<4x2048x1024xf32, #tpu.memory_space<hbm>> -> memref<1x32x1024xf32, #tpu.memory_space<hbm>>
      %dma_start3A_317 = tpu.memref_squeeze %dma_start3A_316 : memref<1x32x1024xf32, #tpu.memory_space<hbm>> -> memref<32x1024xf32, #tpu.memory_space<hbm>>
      %dma_start3A_318 = arith.constant 0 : i32
      %dma_start3A_319 = tpu.memref_slice %arg4[%select_n3A, %add3A_314, %dma_start3A_318] : memref<4x2048x1024xf32, #tpu.memory_space<hbm>> -> memref<1x32x1024xf32, #tpu.memory_space<hbm>>
      %dma_start3A_320 = tpu.memref_squeeze %dma_start3A_319 : memref<1x32x1024xf32, #tpu.memory_space<hbm>> -> memref<32x1024xf32, #tpu.memory_space<hbm>>
      tpu.enqueue_dma source(%arg7 : memref<32x1024xf32, #tpu.memory_space<vmem>>) target(%dma_start3A_320 : memref<32x1024xf32, #tpu.memory_space<hbm>>) target_semaphore(%arg11 : memref<!tpu.dma_semaphore, #tpu.memory_space<semaphore_mem>>)
      %dma_wait3A_321 = arith.constant 0 : i32
      %dma_wait3A_322 = tpu.memref_slice %arg4[%select_n3A, %add3A_314, %dma_wait3A_321] : memref<4x2048x1024xf32, #tpu.memory_space<hbm>> -> memref<1x32x1024xf32, #tpu.memory_space<hbm>>
      %dma_wait3A_323 = tpu.memref_squeeze %dma_wait3A_322 : memref<1x32x1024xf32, #tpu.memory_space<hbm>> -> memref<32x1024xf32, #tpu.memory_space<hbm>>
      %dma_wait3A_324 = arith.constant 0 : i32
      %dma_wait3A_325 = tpu.memref_slice %arg4[%select_n3A, %add3A_314, %dma_wait3A_324] : memref<4x2048x1024xf32, #tpu.memory_space<hbm>> -> memref<1x32x1024xf32, #tpu.memory_space<hbm>>
      %dma_wait3A_326 = tpu.memref_squeeze %dma_wait3A_325 : memref<1x32x1024xf32, #tpu.memory_space<hbm>> -> memref<32x1024xf32, #tpu.memory_space<hbm>>
      tpu.wait_dma2 semaphore(%arg11 : memref<!tpu.dma_semaphore, #tpu.memory_space<semaphore_mem>>) src(%arg7 : memref<32x1024xf32, #tpu.memory_space<vmem>>) dst(%dma_wait3A_326 : memref<32x1024xf32, #tpu.memory_space<hbm>>)
      %dma_start3A_327 = arith.constant 416 : i32
      %dma_start3A_328 = tpu.memref_slice %arg5[%dma_start3A_327] : memref<512xi32, #tpu.memory_space<vmem>> -> memref<32xi32, #tpu.memory_space<vmem>>
      %dma_start3A_329 = arith.constant 0 : i32
      %dma_start3A_330 = arith.constant 0 : i32
      %dma_start3A_331 = tpu.memref_slice %arg2[%dma_start3A_329, %dma_start3A_330] : memref<100000x1024xf32, #tpu.memory_space<hbm>> -> memref<100000x1024xf32, #tpu.memory_space<hbm>>
      tpu.enqueue_indirect_dma source(%dma_start3A_331 : memref<100000x1024xf32, #tpu.memory_space<hbm>>) target(%arg7 : memref<32x1024xf32, #tpu.memory_space<vmem>>) offsets(%dma_start3A_328 : memref<32xi32, #tpu.memory_space<vmem>>) semaphore(%arg9 : memref<!tpu.dma_semaphore, #tpu.memory_space<semaphore_mem>>)
      %dma_wait3A_332 = arith.constant 384 : i32
      %dma_wait3A_333 = tpu.memref_slice %arg5[%dma_wait3A_332] : memref<512xi32, #tpu.memory_space<vmem>> -> memref<32xi32, #tpu.memory_space<vmem>>
      %dma_wait3A_334 = arith.constant 0 : i32
      %dma_wait3A_335 = arith.constant 0 : i32
      %dma_wait3A_336 = tpu.memref_slice %arg2[%dma_wait3A_334, %dma_wait3A_335] : memref<100000x1024xf32, #tpu.memory_space<hbm>> -> memref<100000x1024xf32, #tpu.memory_space<hbm>>
      tpu.wait_indirect_dma semaphore(%arg8 : memref<!tpu.dma_semaphore, #tpu.memory_space<semaphore_mem>>) src(%dma_wait3A_336 : memref<100000x1024xf32, #tpu.memory_space<hbm>>) dst(%arg6 : memref<32x1024xf32, #tpu.memory_space<vmem>>)
      %add3A_337 = arith.constant 384 : i32
      %add3A_338 = arith.addi %mul3A_32, %add3A_337 : i32
      %dma_start3A_339 = arith.constant 0 : i32
      %dma_start3A_340 = tpu.memref_slice %arg4[%select_n3A, %add3A_338, %dma_start3A_339] : memref<4x2048x1024xf32, #tpu.memory_space<hbm>> -> memref<1x32x1024xf32, #tpu.memory_space<hbm>>
      %dma_start3A_341 = tpu.memref_squeeze %dma_start3A_340 : memref<1x32x1024xf32, #tpu.memory_space<hbm>> -> memref<32x1024xf32, #tpu.memory_space<hbm>>
      %dma_start3A_342 = arith.constant 0 : i32
      %dma_start3A_343 = tpu.memref_slice %arg4[%select_n3A, %add3A_338, %dma_start3A_342] : memref<4x2048x1024xf32, #tpu.memory_space<hbm>> -> memref<1x32x1024xf32, #tpu.memory_space<hbm>>
      %dma_start3A_344 = tpu.memref_squeeze %dma_start3A_343 : memref<1x32x1024xf32, #tpu.memory_space<hbm>> -> memref<32x1024xf32, #tpu.memory_space<hbm>>
      tpu.enqueue_dma source(%arg6 : memref<32x1024xf32, #tpu.memory_space<vmem>>) target(%dma_start3A_344 : memref<32x1024xf32, #tpu.memory_space<hbm>>) target_semaphore(%arg10 : memref<!tpu.dma_semaphore, #tpu.memory_space<semaphore_mem>>)
      %dma_wait3A_345 = arith.constant 0 : i32
      %dma_wait3A_346 = tpu.memref_slice %arg4[%select_n3A, %add3A_338, %dma_wait3A_345] : memref<4x2048x1024xf32, #tpu.memory_space<hbm>> -> memref<1x32x1024xf32, #tpu.memory_space<hbm>>
      %dma_wait3A_347 = tpu.memref_squeeze %dma_wait3A_346 : memref<1x32x1024xf32, #tpu.memory_space<hbm>> -> memref<32x1024xf32, #tpu.memory_space<hbm>>
      %dma_wait3A_348 = arith.constant 0 : i32
      %dma_wait3A_349 = tpu.memref_slice %arg4[%select_n3A, %add3A_338, %dma_wait3A_348] : memref<4x2048x1024xf32, #tpu.memory_space<hbm>> -> memref<1x32x1024xf32, #tpu.memory_space<hbm>>
      %dma_wait3A_350 = tpu.memref_squeeze %dma_wait3A_349 : memref<1x32x1024xf32, #tpu.memory_space<hbm>> -> memref<32x1024xf32, #tpu.memory_space<hbm>>
      tpu.wait_dma2 semaphore(%arg10 : memref<!tpu.dma_semaphore, #tpu.memory_space<semaphore_mem>>) src(%arg6 : memref<32x1024xf32, #tpu.memory_space<vmem>>) dst(%dma_wait3A_350 : memref<32x1024xf32, #tpu.memory_space<hbm>>)
      %dma_start3A_351 = arith.constant 448 : i32
      %dma_start3A_352 = tpu.memref_slice %arg5[%dma_start3A_351] : memref<512xi32, #tpu.memory_space<vmem>> -> memref<32xi32, #tpu.memory_space<vmem>>
      %dma_start3A_353 = arith.constant 0 : i32
      %dma_start3A_354 = arith.constant 0 : i32
      %dma_start3A_355 = tpu.memref_slice %arg2[%dma_start3A_353, %dma_start3A_354] : memref<100000x1024xf32, #tpu.memory_space<hbm>> -> memref<100000x1024xf32, #tpu.memory_space<hbm>>
      tpu.enqueue_indirect_dma source(%dma_start3A_355 : memref<100000x1024xf32, #tpu.memory_space<hbm>>) target(%arg6 : memref<32x1024xf32, #tpu.memory_space<vmem>>) offsets(%dma_start3A_352 : memref<32xi32, #tpu.memory_space<vmem>>) semaphore(%arg8 : memref<!tpu.dma_semaphore, #tpu.memory_space<semaphore_mem>>)
      %dma_wait3A_356 = arith.constant 416 : i32
      %dma_wait3A_357 = tpu.memref_slice %arg5[%dma_wait3A_356] : memref<512xi32, #tpu.memory_space<vmem>> -> memref<32xi32, #tpu.memory_space<vmem>>
      %dma_wait3A_358 = arith.constant 0 : i32
      %dma_wait3A_359 = arith.constant 0 : i32
      %dma_wait3A_360 = tpu.memref_slice %arg2[%dma_wait3A_358, %dma_wait3A_359] : memref<100000x1024xf32, #tpu.memory_space<hbm>> -> memref<100000x1024xf32, #tpu.memory_space<hbm>>
      tpu.wait_indirect_dma semaphore(%arg9 : memref<!tpu.dma_semaphore, #tpu.memory_space<semaphore_mem>>) src(%dma_wait3A_360 : memref<100000x1024xf32, #tpu.memory_space<hbm>>) dst(%arg7 : memref<32x1024xf32, #tpu.memory_space<vmem>>)
      %add3A_361 = arith.constant 416 : i32
      %add3A_362 = arith.addi %mul3A_32, %add3A_361 : i32
      %dma_start3A_363 = arith.constant 0 : i32
      %dma_start3A_364 = tpu.memref_slice %arg4[%select_n3A, %add3A_362, %dma_start3A_363] : memref<4x2048x1024xf32, #tpu.memory_space<hbm>> -> memref<1x32x1024xf32, #tpu.memory_space<hbm>>
      %dma_start3A_365 = tpu.memref_squeeze %dma_start3A_364 : memref<1x32x1024xf32, #tpu.memory_space<hbm>> -> memref<32x1024xf32, #tpu.memory_space<hbm>>
      %dma_start3A_366 = arith.constant 0 : i32
      %dma_start3A_367 = tpu.memref_slice %arg4[%select_n3A, %add3A_362, %dma_start3A_366] : memref<4x2048x1024xf32, #tpu.memory_space<hbm>> -> memref<1x32x1024xf32, #tpu.memory_space<hbm>>
      %dma_start3A_368 = tpu.memref_squeeze %dma_start3A_367 : memref<1x32x1024xf32, #tpu.memory_space<hbm>> -> memref<32x1024xf32, #tpu.memory_space<hbm>>
      tpu.enqueue_dma source(%arg7 : memref<32x1024xf32, #tpu.memory_space<vmem>>) target(%dma_start3A_368 : memref<32x1024xf32, #tpu.memory_space<hbm>>) target_semaphore(%arg11 : memref<!tpu.dma_semaphore, #tpu.memory_space<semaphore_mem>>)
      %dma_wait3A_369 = arith.constant 0 : i32
      %dma_wait3A_370 = tpu.memref_slice %arg4[%select_n3A, %add3A_362, %dma_wait3A_369] : memref<4x2048x1024xf32, #tpu.memory_space<hbm>> -> memref<1x32x1024xf32, #tpu.memory_space<hbm>>
      %dma_wait3A_371 = tpu.memref_squeeze %dma_wait3A_370 : memref<1x32x1024xf32, #tpu.memory_space<hbm>> -> memref<32x1024xf32, #tpu.memory_space<hbm>>
      %dma_wait3A_372 = arith.constant 0 : i32
      %dma_wait3A_373 = tpu.memref_slice %arg4[%select_n3A, %add3A_362, %dma_wait3A_372] : memref<4x2048x1024xf32, #tpu.memory_space<hbm>> -> memref<1x32x1024xf32, #tpu.memory_space<hbm>>
      %dma_wait3A_374 = tpu.memref_squeeze %dma_wait3A_373 : memref<1x32x1024xf32, #tpu.memory_space<hbm>> -> memref<32x1024xf32, #tpu.memory_space<hbm>>
      tpu.wait_dma2 semaphore(%arg11 : memref<!tpu.dma_semaphore, #tpu.memory_space<semaphore_mem>>) src(%arg7 : memref<32x1024xf32, #tpu.memory_space<vmem>>) dst(%dma_wait3A_374 : memref<32x1024xf32, #tpu.memory_space<hbm>>)
      %dma_start3A_375 = arith.constant 480 : i32
      %dma_start3A_376 = tpu.memref_slice %arg5[%dma_start3A_375] : memref<512xi32, #tpu.memory_space<vmem>> -> memref<32xi32, #tpu.memory_space<vmem>>
      %dma_start3A_377 = arith.constant 0 : i32
      %dma_start3A_378 = arith.constant 0 : i32
      %dma_start3A_379 = tpu.memref_slice %arg2[%dma_start3A_377, %dma_start3A_378] : memref<100000x1024xf32, #tpu.memory_space<hbm>> -> memref<100000x1024xf32, #tpu.memory_space<hbm>>
      tpu.enqueue_indirect_dma source(%dma_start3A_379 : memref<100000x1024xf32, #tpu.memory_space<hbm>>) target(%arg7 : memref<32x1024xf32, #tpu.memory_space<vmem>>) offsets(%dma_start3A_376 : memref<32xi32, #tpu.memory_space<vmem>>) semaphore(%arg9 : memref<!tpu.dma_semaphore, #tpu.memory_space<semaphore_mem>>)
      %dma_wait3A_380 = arith.constant 448 : i32
      %dma_wait3A_381 = tpu.memref_slice %arg5[%dma_wait3A_380] : memref<512xi32, #tpu.memory_space<vmem>> -> memref<32xi32, #tpu.memory_space<vmem>>
      %dma_wait3A_382 = arith.constant 0 : i32
      %dma_wait3A_383 = arith.constant 0 : i32
      %dma_wait3A_384 = tpu.memref_slice %arg2[%dma_wait3A_382, %dma_wait3A_383] : memref<100000x1024xf32, #tpu.memory_space<hbm>> -> memref<100000x1024xf32, #tpu.memory_space<hbm>>
      tpu.wait_indirect_dma semaphore(%arg8 : memref<!tpu.dma_semaphore, #tpu.memory_space<semaphore_mem>>) src(%dma_wait3A_384 : memref<100000x1024xf32, #tpu.memory_space<hbm>>) dst(%arg6 : memref<32x1024xf32, #tpu.memory_space<vmem>>)
      %add3A_385 = arith.constant 448 : i32
      %add3A_386 = arith.addi %mul3A_32, %add3A_385 : i32
      %dma_start3A_387 = arith.constant 0 : i32
      %dma_start3A_388 = tpu.memref_slice %arg4[%select_n3A, %add3A_386, %dma_start3A_387] : memref<4x2048x1024xf32, #tpu.memory_space<hbm>> -> memref<1x32x1024xf32, #tpu.memory_space<hbm>>
      %dma_start3A_389 = tpu.memref_squeeze %dma_start3A_388 : memref<1x32x1024xf32, #tpu.memory_space<hbm>> -> memref<32x1024xf32, #tpu.memory_space<hbm>>
      %dma_start3A_390 = arith.constant 0 : i32
      %dma_start3A_391 = tpu.memref_slice %arg4[%select_n3A, %add3A_386, %dma_start3A_390] : memref<4x2048x1024xf32, #tpu.memory_space<hbm>> -> memref<1x32x1024xf32, #tpu.memory_space<hbm>>
      %dma_start3A_392 = tpu.memref_squeeze %dma_start3A_391 : memref<1x32x1024xf32, #tpu.memory_space<hbm>> -> memref<32x1024xf32, #tpu.memory_space<hbm>>
      tpu.enqueue_dma source(%arg6 : memref<32x1024xf32, #tpu.memory_space<vmem>>) target(%dma_start3A_392 : memref<32x1024xf32, #tpu.memory_space<hbm>>) target_semaphore(%arg10 : memref<!tpu.dma_semaphore, #tpu.memory_space<semaphore_mem>>)
      %dma_wait3A_393 = arith.constant 480 : i32
      %dma_wait3A_394 = tpu.memref_slice %arg5[%dma_wait3A_393] : memref<512xi32, #tpu.memory_space<vmem>> -> memref<32xi32, #tpu.memory_space<vmem>>
      %dma_wait3A_395 = arith.constant 0 : i32
      %dma_wait3A_396 = arith.constant 0 : i32
      %dma_wait3A_397 = tpu.memref_slice %arg2[%dma_wait3A_395, %dma_wait3A_396] : memref<100000x1024xf32, #tpu.memory_space<hbm>> -> memref<100000x1024xf32, #tpu.memory_space<hbm>>
      tpu.wait_indirect_dma semaphore(%arg9 : memref<!tpu.dma_semaphore, #tpu.memory_space<semaphore_mem>>) src(%dma_wait3A_397 : memref<100000x1024xf32, #tpu.memory_space<hbm>>) dst(%arg7 : memref<32x1024xf32, #tpu.memory_space<vmem>>)
      %add3A_398 = arith.constant 480 : i32
      %add3A_399 = arith.addi %mul3A_32, %add3A_398 : i32
      %dma_start3A_400 = arith.constant 0 : i32
      %dma_start3A_401 = tpu.memref_slice %arg4[%select_n3A, %add3A_399, %dma_start3A_400] : memref<4x2048x1024xf32, #tpu.memory_space<hbm>> -> memref<1x32x1024xf32, #tpu.memory_space<hbm>>
      %dma_start3A_402 = tpu.memref_squeeze %dma_start3A_401 : memref<1x32x1024xf32, #tpu.memory_space<hbm>> -> memref<32x1024xf32, #tpu.memory_space<hbm>>
      %dma_start3A_403 = arith.constant 0 : i32
      %dma_start3A_404 = tpu.memref_slice %arg4[%select_n3A, %add3A_399, %dma_start3A_403] : memref<4x2048x1024xf32, #tpu.memory_space<hbm>> -> memref<1x32x1024xf32, #tpu.memory_space<hbm>>
      %dma_start3A_405 = tpu.memref_squeeze %dma_start3A_404 : memref<1x32x1024xf32, #tpu.memory_space<hbm>> -> memref<32x1024xf32, #tpu.memory_space<hbm>>
      tpu.enqueue_dma source(%arg7 : memref<32x1024xf32, #tpu.memory_space<vmem>>) target(%dma_start3A_405 : memref<32x1024xf32, #tpu.memory_space<hbm>>) target_semaphore(%arg11 : memref<!tpu.dma_semaphore, #tpu.memory_space<semaphore_mem>>)
      %dma_wait3A_406 = arith.constant 0 : i32
      %dma_wait3A_407 = tpu.memref_slice %arg4[%select_n3A, %add3A_386, %dma_wait3A_406] : memref<4x2048x1024xf32, #tpu.memory_space<hbm>> -> memref<1x32x1024xf32, #tpu.memory_space<hbm>>
      %dma_wait3A_408 = tpu.memref_squeeze %dma_wait3A_407 : memref<1x32x1024xf32, #tpu.memory_space<hbm>> -> memref<32x1024xf32, #tpu.memory_space<hbm>>
      %dma_wait3A_409 = arith.constant 0 : i32
      %dma_wait3A_410 = tpu.memref_slice %arg4[%select_n3A, %add3A_386, %dma_wait3A_409] : memref<4x2048x1024xf32, #tpu.memory_space<hbm>> -> memref<1x32x1024xf32, #tpu.memory_space<hbm>>
      %dma_wait3A_411 = tpu.memref_squeeze %dma_wait3A_410 : memref<1x32x1024xf32, #tpu.memory_space<hbm>> -> memref<32x1024xf32, #tpu.memory_space<hbm>>
      tpu.wait_dma2 semaphore(%arg10 : memref<!tpu.dma_semaphore, #tpu.memory_space<semaphore_mem>>) src(%arg6 : memref<32x1024xf32, #tpu.memory_space<vmem>>) dst(%dma_wait3A_411 : memref<32x1024xf32, #tpu.memory_space<hbm>>)
      %dma_wait3A_412 = arith.constant 0 : i32
      %dma_wait3A_413 = tpu.memref_slice %arg4[%select_n3A, %add3A_399, %dma_wait3A_412] : memref<4x2048x1024xf32, #tpu.memory_space<hbm>> -> memref<1x32x1024xf32, #tpu.memory_space<hbm>>
      %dma_wait3A_414 = tpu.memref_squeeze %dma_wait3A_413 : memref<1x32x1024xf32, #tpu.memory_space<hbm>> -> memref<32x1024xf32, #tpu.memory_space<hbm>>
      %dma_wait3A_415 = arith.constant 0 : i32
      %dma_wait3A_416 = tpu.memref_slice %arg4[%select_n3A, %add3A_399, %dma_wait3A_415] : memref<4x2048x1024xf32, #tpu.memory_space<hbm>> -> memref<1x32x1024xf32, #tpu.memory_space<hbm>>
      %dma_wait3A_417 = tpu.memref_squeeze %dma_wait3A_416 : memref<1x32x1024xf32, #tpu.memory_space<hbm>> -> memref<32x1024xf32, #tpu.memory_space<hbm>>
      tpu.wait_dma2 semaphore(%arg11 : memref<!tpu.dma_semaphore, #tpu.memory_space<semaphore_mem>>) src(%arg7 : memref<32x1024xf32, #tpu.memory_space<vmem>>) dst(%dma_wait3A_417 : memref<32x1024xf32, #tpu.memory_space<hbm>>)
    } else {
    }
    return
  }
}

module attributes {stable_mosaic.version = 14 : i64} {
  func.func @_mask_body(%arg0: i32, %arg1: i32, %arg2: memref<4x2048xf32, #tpu.memory_space<vmem>>, %arg3: memref<4x2048xf32, #tpu.memory_space<vmem>>, %arg4: memref<1x1x512x2048xf32, #tpu.memory_space<vmem>>, %arg5: memref<1x1x1x2048xf32, #tpu.memory_space<vmem>>) attributes {dimension_semantics = [#tpu.dimension_semantics<arbitrary>, #tpu.dimension_semantics<arbitrary>], iteration_bounds = array<i64: 4, 4>, scalar_prefetch = 0 : i64, scratch_operands = 0 : i64, tpu.core_type = #tpu.core_type<tc>, window_params = [{pipeline_mode = #tpu.pipeline_mode<synchronous>, transform_indices = @transform_0, window_bounds = array<i64: 4, 2048>}, {pipeline_mode = #tpu.pipeline_mode<synchronous>, transform_indices = @transform_1, window_bounds = array<i64: 4, 2048>}, {transform_indices = @transform_2, window_bounds = array<i64: 1, 1, 512, 2048>}, {transform_indices = @transform_3, window_bounds = array<i64: 1, 1, 1, 2048>}]} {
    %iota3A = tpu.iota {dimensions = array<i32: 0>} : vector<512x2048xi32>
    %mul3A = arith.constant 512 : i32
    %mul3A_0 = arith.muli %arg1, %mul3A : i32
    %add3A = vector.broadcast %mul3A_0 : i32 to vector<512x2048xi32>
    %add3A_1 = arith.addi %iota3A, %add3A : vector<512x2048xi32>
    %iota3A_2 = tpu.iota {dimensions = array<i32: 1>} : vector<512x2048xi32>
    %get3A = arith.index_cast %arg0 : i32 to index
    %get3A_3 = arith.constant 0 : index
    %get3A_4 = vector.load %arg2[%get3A, %get3A_3] : memref<4x2048xf32, #tpu.memory_space<vmem>>, vector<1x2048xf32>
    %sub3A = arith.constant 1.000000e+00 : f32
    %sub3A_5 = vector.broadcast %sub3A : f32 to vector<1x2048xf32>
    %sub3A_6 = arith.subf %sub3A_5, %get3A_4 : vector<1x2048xf32>
    %mul3A_7 = arith.constant -1.000000e+04 : f32
    %mul3A_8 = vector.broadcast %mul3A_7 : f32 to vector<1x2048xf32>
    %mul3A_9 = arith.mulf %mul3A_8, %sub3A_6 : vector<1x2048xf32>
    %le3A = arith.cmpi sle, %iota3A_2, %add3A_1 : vector<512x2048xi32>
    %jit3A = arith.constant -1.000000e+04 : f32
    %broadcast_in_dim3A = vector.shape_cast %mul3A_9 : vector<1x2048xf32> to vector<1x2048xf32>
    %broadcast_in_dim3A_10 = vector.broadcast %broadcast_in_dim3A : vector<1x2048xf32> to vector<512x2048xf32>
    %broadcast_in_dim3A_11 = vector.broadcast %jit3A : f32 to vector<512x2048xf32>
    %select_n3A = arith.select %le3A, %broadcast_in_dim3A_10, %broadcast_in_dim3A_11 : vector<512x2048xi1>, vector<512x2048xf32>
    %swap3A = arith.constant 0 : index
    %swap3A_12 = arith.constant 0 : index
    %swap3A_13 = arith.constant 0 : index
    %swap3A_14 = arith.constant 0 : index
    %swap3A_15 = vector.load %arg4[%swap3A, %swap3A_12, %swap3A_13, %swap3A_14] : memref<1x1x512x2048xf32, #tpu.memory_space<vmem>>, vector<1x1x512x2048xf32>
    %swap3A_16 = vector.shape_cast %swap3A_15 : vector<1x1x512x2048xf32> to vector<512x2048xf32>
    %swap3A_17 = vector.shape_cast %select_n3A : vector<512x2048xf32> to vector<1x1x512x2048xf32>
    tpu.vector_store %arg4[%swap3A, %swap3A_12, %swap3A_13, %swap3A_14], %swap3A_17 {strides = array<i32>} : memref<1x1x512x2048xf32, #tpu.memory_space<vmem>>, vector<1x1x512x2048xf32>,
    %get3A_18 = arith.index_cast %arg0 : i32 to index
    %get3A_19 = arith.constant 0 : index
    %get3A_20 = vector.load %arg3[%get3A_18, %get3A_19] : memref<4x2048xf32, #tpu.memory_space<vmem>>, vector<1x2048xf32>
    %sub3A_21 = arith.constant 1.000000e+00 : f32
    %sub3A_22 = vector.broadcast %sub3A_21 : f32 to vector<1x2048xf32>
    %sub3A_23 = arith.subf %sub3A_22, %get3A_20 : vector<1x2048xf32>
    %mul3A_24 = arith.constant -1.000000e+09 : f32
    %mul3A_25 = vector.broadcast %mul3A_24 : f32 to vector<1x2048xf32>
    %mul3A_26 = arith.mulf %sub3A_23, %mul3A_25 : vector<1x2048xf32>
    %reshape3A = vector.shape_cast %mul3A_26 : vector<1x2048xf32> to vector<1x1x1x2048xf32>
    %swap3A_27 = arith.constant 0 : index
    %swap3A_28 = arith.constant 0 : index
    %swap3A_29 = arith.constant 0 : index
    %swap3A_30 = arith.constant 0 : index
    %swap3A_31 = vector.load %arg5[%swap3A_27, %swap3A_28, %swap3A_29, %swap3A_30] : memref<1x1x1x2048xf32, #tpu.memory_space<vmem>>, vector<1x1x1x2048xf32>
    tpu.vector_store %arg5[%swap3A_27, %swap3A_28, %swap3A_29, %swap3A_30], %reshape3A {strides = array<i32>} : memref<1x1x1x2048xf32, #tpu.memory_space<vmem>>, vector<1x1x1x2048xf32>,
    return
  }
  func.func @transform_0(%arg0: i32, %arg1: i32) -> (i32, i32) {
    %c0_i32 = arith.constant 0 : i32
    %c0_i32_0 = arith.constant 0 : i32
    %c0_i32_1 = arith.constant 0 : i32
    return %c0_i32, %c0_i32_0 : i32, i32
  }
  func.func @transform_1(%arg0: i32, %arg1: i32) -> (i32, i32) {
    %c0_i32 = arith.constant 0 : i32
    %c0_i32_0 = arith.constant 0 : i32
    %c0_i32_1 = arith.constant 0 : i32
    return %c0_i32, %c0_i32_0 : i32, i32
  }
  func.func @transform_2(%arg0: i32, %arg1: i32) -> (i32, i32, i32, i32) {
    %c0_i32 = arith.constant 0 : i32
    %c0_i32_0 = arith.constant 0 : i32
    %c0_i32_1 = arith.constant 0 : i32
    return %arg0, %c0_i32, %arg1, %c0_i32_0 : i32, i32, i32, i32
  }
  func.func @transform_3(%arg0: i32, %arg1: i32) -> (i32, i32, i32, i32) {
    %c0_i32 = arith.constant 0 : i32
    %c0_i32_0 = arith.constant 0 : i32
    %c0_i32_1 = arith.constant 0 : i32
    %c0_i32_2 = arith.constant 0 : i32
    return %arg0, %c0_i32, %c0_i32_0, %c0_i32_1 : i32, i32, i32, i32
  }
}

</mosaic_0001>

<sc_bundles>
// kernel: kernel.4.cloned.1.call-start
scs
__scs_entry_jumppad:
0x0: {  	(pc) =	sbr.rel $0x88, $3  }
0x1: {  	(tag) =	ssettag $0x0;
	lr =	simm.s32 $0x1  }
0x2: {  	[smem:$0x3F9D] =	sst lr;
	_ =	strace $0xD0000000  }
0x3: {  	_ = 	snop  }
0x4: {  	_ = 	snop  }
0x5: {  	_ = 	snop  }
0x6: {  	_ = 	snop  }
0x7: {  	_ = 	snop  }
__scs_overlays_trampoline_lowered:
0x8: {  	[smem:$0x3FAC] =	sst s0  }
0x9: {  	[smem:$0x3FAD] =	sst s1  }
0xa: {  	[smem:$0x3FAE] =	sst s2  }
0xb: {  	[smem:$0x3FAF] =	sst s3  }
0xc: {  	[smem:$0x3FB0] =	sst s4  }
0xd: {  	[smem:$0x3FB1] =	sst s5  }
0xe: {  	[smem:$0x3FB2] =	sst s6  }
0xf: {  	[smem:$0x3FB3] =	sst s7  }
0x10: {  	[smem:$0x3FB4] =	sst s8  }
0x11: {  	[smem:$0x3FB5] =	sst s9;
	s0 =	simm.s32 @!p0 $0x0  }
0x12: {  	s1 =	sld [smem:$0x3F9B];
	s0 =	simm.s32 @p0 $0x1  }
0x13: {  	[smem:$0x3FB6] =	sst s0;
	s0 =	simm.s32 @!p1 $0x0  }
0x14: {  	s2 =	sld [smem:$0x3F9A];
	s0 =	simm.s32 @p1 $0x1  }
0x15: {  	[smem:$0x3FB7] =	sst s0;
	s0 =	simm.s32 @!p2 $0x0  }
0x16: {  	s3 =	sld [smem:$0x3FDB];
	s0 =	simm.s32 @p2 $0x1  }
0x17: {  	s4 =	simm.s32 $0x1BF5;
	[smem:$0x3FB9] =	sst s0  }
0x18: {  	s0 =	sld [smem:$0x3F9C];
	_ =	swait.ge [sflag:s4], $0x0  }
0x19: {  	s7 =	sld [smem:$0x3F9D]  }
0x1a: {  	s8 =	sadd.s32 $0xFFFFE003, lr  }
0x1b: {  	s9 =	sadd.s32 $0xFFFFFEF7, lr;
	s5 =	simm.s32 $0xFFFFFFFF;
	p2 =	slt.u32 s8, $0xFFFFF086  }
0x1c: {  	p1 =	slt.u32 s9, $0xF7A;
	s5 =	simm.s32 @!p2 $0x0  }
0x1d: {  	s5 =	simm.s32 @p1 $0x1;
	p0 =	seq.s32 s7, s2  }
0x1e: {  	s7 =	smul.u32 @!p0 $0xF7A, s2;
	p2 =	seq.s32 @!p0 s5, $0x0  }
0x1f: {  	s9 =	smul.u32 $0xF7A, s1;
	s8 =	simm.s32 @!p0 $0x1BF5;
	p2 =	por !p2, p0  }
0x20: {  	[sflag:s8] =	ssyncset.s32 @!p0 $0xFFFFF086;
	s6 =	sadd.s32 @!p0 s3, s7;
	s7 =	simm.s32 @!p0 $0x108  }
0x21: {  	s3 =	sadd.s32 s3, s9;
	s6 =	sadd.s32 @!p0 $0x88, s6;
	s7 =	simm.s32 @p2 $0x1082  }
0x22: {  	[simem:s7], [sflag:s8] =	dma.local @!p0 [hbm:s6], $0xF7A  }
0x23: {  	s9 =	sor.u32 $0xD0000000, s2;
	s6 =	simm.s32 $0x108;
	_ =	swait.ge @!p0 [sflag:s8], $0x0  }
0x24: {  	s3 =	sadd.s32 $0x88, s3;
	s6 =	simm.s32 @!p1 $0x1082;
	[sflag:s4] =	ssyncset.s32 $0xFFFFF086  }
0x25: {  	[simem:s6], [sflag:s4] =	dma.local [hbm:s3], $0xF7A  }
0x26: {  	[smem:$0x3F9D] =	sst s1;
	(tag) =	ssettag s2;
	_ =	strace s9  }
0x27: {  	s1 =	sld [smem:$0x3FAD]  }
0x28: {  	s2 =	sld [smem:$0x3FAE]  }
0x29: {  	s4 =	sld [smem:$0x3FB0]  }
0x2a: {  	p0 =	seq.s32 s5, $0x0;
	s5 =	sld [smem:$0x3FB1]  }
0x2b: {  	s6 =	sld [smem:$0x3FB2]  }
0x2c: {  	s7 =	sld [smem:$0x3FB3]  }
0x2d: {  	s3 =	simm.s32 $0x108;
	s8 =	sld [smem:$0x3FB4]  }
0x2e: {  	s3 =	simm.s32 @!p0 $0x1082;
	s9 =	sld [smem:$0x3FB5]  }
0x2f: {  	lr =	sadd.s32 s0, s3;
	s0 =	sld [smem:$0x3FAC]  }
0x30: {  	s3 =	sld [smem:$0x3FAF]  }
0x31: {  	[smem:$0x3FB8] =	sst s10  }
0x32: {  	s10 =	sld [smem:$0x3FB6];
	_ =	sdelay $0x3  }
0x33: {  	p0 =	seq.s32 s10, $0x1;
	s10 =	sld [smem:$0x3FB8];
	_ =	sdelay $0x3  }
0x34: {  	[smem:$0x3FB8] =	sst s10  }
0x35: {  	s10 =	sld [smem:$0x3FB7];
	_ =	sdelay $0x3  }
0x36: {  	p1 =	seq.s32 s10, $0x1;
	s10 =	sld [smem:$0x3FB8];
	_ =	sdelay $0x3  }
0x37: {  	[smem:$0x3FB8] =	sst s10  }
0x38: {  	s10 =	sld [smem:$0x3FB9]  }
0x39: {  	_ = 	snop;
	(pc) =	sbr.ind lr, $3  }
0x3a: {  	_ = 	snop  }
0x3b: {  	_ = 	snop  }
0x3c: {  	p2 =	seq.s32 s10, $0x1;
	s10 =	sld [smem:$0x3FB8]  }
0x3d: {  	_ =	shalt  }
0x3e: {  	_ =	shalt  }
0x3f: {  	_ =	shalt  }
0x40: {  	_ =	shalt  }
0x41: {  	_ =	shalt  }
0x42: {  	_ =	shalt  }
0x43: {  	_ =	shalt  }
0x44: {  	_ =	shalt  }
0x45: {  	_ =	shalt  }
0x46: {  	_ =	shalt  }
0x47: {  	_ =	shalt  }
0x48: {  	_ =	shalt  }
0x49: {  	_ =	shalt  }
0x4a: {  	_ =	shalt  }
0x4b: {  	_ =	shalt  }
0x4c: {  	_ =	shalt  }
0x4d: {  	_ =	shalt  }
0x4e: {  	_ =	shalt  }
0x4f: {  	_ =	shalt  }
0x50: {  	_ =	shalt  }
0x51: {  	_ =	shalt  }
0x52: {  	_ =	shalt  }
0x53: {  	_ =	shalt  }
0x54: {  	_ =	shalt  }
0x55: {  	_ =	shalt  }
0x56: {  	_ =	shalt  }
0x57: {  	_ =	shalt  }
0x58: {  	_ =	shalt  }
0x59: {  	_ =	shalt  }
0x5a: {  	_ =	shalt  }
0x5b: {  	_ =	shalt  }
0x5c: {  	_ =	shalt  }
0x5d: {  	_ =	shalt  }
0x5e: {  	_ =	shalt  }
0x5f: {  	_ =	shalt  }
0x60: {  	_ =	shalt  }
0x61: {  	_ =	shalt  }
0x62: {  	_ =	shalt  }
0x63: {  	_ =	shalt  }
0x64: {  	_ =	shalt  }
0x65: {  	_ =	shalt  }
0x66: {  	_ =	shalt  }
0x67: {  	_ =	shalt  }
0x68: {  	_ =	shalt  }
0x69: {  	_ =	shalt  }
0x6a: {  	_ =	shalt  }
0x6b: {  	_ =	shalt  }
0x6c: {  	_ =	shalt  }
0x6d: {  	_ =	shalt  }
0x6e: {  	_ =	shalt  }
0x6f: {  	_ =	shalt  }
0x70: {  	_ =	shalt  }
0x71: {  	_ =	shalt  }
0x72: {  	_ =	shalt  }
0x73: {  	_ =	shalt  }
0x74: {  	_ =	shalt  }
0x75: {  	_ =	shalt  }
0x76: {  	_ =	shalt  }
0x77: {  	_ =	shalt  }
0x78: {  	_ =	shalt  }
0x79: {  	_ =	shalt  }
0x7a: {  	_ =	shalt  }
0x7b: {  	_ =	shalt  }
0x7c: {  	_ =	shalt  }
0x7d: {  	_ =	shalt  }
0x7e: {  	_ =	shalt  }
0x7f: {  	_ =	shalt  }
0x80: {  	_ =	shalt  }
0x81: {  	_ =	shalt  }
0x82: {  	_ =	shalt  }
0x83: {  	_ =	shalt  }
0x84: {  	_ =	shalt  }
0x85: {  	_ =	shalt  }
0x86: {  	_ =	shalt  }
0x87: {  	_ =	shalt  }
.Lfunc_end0:
.L_simem_size_0:
called_computation_lowered:
.L_overlay_start_0:
0x88: {  	s2 =	sld [smem:$0x3FD9]  }
0x89: {  	s3 =	sld [smem:$0x3FFE];
	_ =	sdelay $0x1  }
0x8a: {  	s1 =	srdreg.scid  }
0x8b: {  	s0 =	sand.u32 $0x1, s1  }
0x8c: {  	s15 =	sshll.u32 s0, $0xA;
	s2 =	sadd.s32 s3, s2  }
0x8d: {  	s2 =	sadd.s32 s2, s15  }
0x8e: {  	[smem:$0x3FC4] =	sst s2  }
0x8f: {  	_ = 	snop  }
0x90: {  	s2 =	sld [smem:$0x3FD0];
	_ =	sdelay $0x1  }
0x91: {  	s16 =	sld [smem:$0x3FC9]  }
0x92: {  	s5 =	simm.s32 $0xA;
	s6 =	simm.s32 $0x10;
	s4 =	sld [smem:$0x3FC6]  }
0x93: {  	[smem:s6], [sflag:s5] =	dma.local [hbm:s2], $0x1  }
0x94: {  	_ =	swait.eq [sflag:s5], $0x1  }
0x95: {  	[sflag:s5] =	ssyncset.done $0x0  }
0x96: {  	[sflag:s5] =	ssyncadd.s32 $0xFFFFFFFF  }
0x97: {  	s17 =	sld [smem:$0x10];
	(tm) =	ssettm $0x1  }
0x98: {  	s18 =	sld [smem:$0x3FFB];
	_ =	sdelay $0x3  }
0x99: {  	_ =	strace s18  }
0x9a: {  	s5 =	sld [smem:$0x3FFC];
	_ =	sdelay $0x3  }
0x9b: {  	_ =	strace s5  }
0x9c: {  	s5 =	sld [smem:$0x3FFD];
	_ =	sdelay $0x3  }
0x9d: {  	_ =	strace s5  }
0x9e: {  	_ =	strace $0x8FFFFFFF  }
0x9f: {  	s19 =	sld [smem:$0x3FDB];
	_ =	sdelay $0x1  }
0xa0: {  	s20 =	simm.s32 $_scs_section_size  }
0xa1: {  	s7 =	simm.s32 $_size__tile_overlayer_lowered;
	s8 =	simm.s32 $_tile_overlayer_lowered  }
0xa2: {  	s23 =	simm.s32 $0x1BFF;
	s22 =	sshll.u32 s8, $0x1;
	s5 =	sadd.s32 s20, s19  }
0xa3: {  	s9 =	simm.s32 $0x0;
	s21 =	sshll.u32 s7, $0x1;
	s7 =	sadd.s32 s22, s5  }
0xa4: {  	[timem:s9], [sflag:s23] =	dma.local [hbm:s7], s21  }
0xa5: {  	_ =	swait.ge [sflag:s23], s21  }
0xa6: {  	s6 =	ssub.s32 $0x0, s21;
	[sflag:s23] =	ssyncset.done $0x0  }
0xa7: {  	[sflag:s23] =	ssyncadd.s32 s6;
	_ =	sdelay $0x1  }
0xa8: {  	s24 =	simm.s32 $0x1B8B  }
0xa9: {  	_ =	swait.ge [sflag:s24], $0x1  }
0xaa: {  	[sflag:s24] =	ssyncset.done $0x0  }
0xab: {  	s25 =	simm.s32 $0x1B8E;
	[sflag:s24] =	ssyncadd.s32 $0xFFFFFFFF  }
0xac: {  	s26 =	simm.s32 $execute0_lowered;
	[smem:$0x3FD2] =	sst s25  }
0xad: {  	s6 =	sshll.u32 s26, $0x1;
	_ =	strace $0x80000046;
	[dreg:$0x1] =	wrdreg $0xFFFFFFFF  }
0xae: {  	s28 =	simm.s32 $_size_execute0_lowered;
	s5 =	sadd.s32 s5, s6;
	[dreg:$0x0] =	wrdreg $0x0  }
0xaf: {  	s6 =	sshll.u32 s28, $0x1;
	[dreg:$0x2] =	wrdreg s5  }
0xb0: {  	[dreg:$0x3] =	wrdreg s6  }
0xb1: {  	[dreg:$0x4] =	wrdreg $0xC0  }
0xb2: {  	_ =	task [dreg:s9], $0x5FFFF  }
0xb3: {  	[dreg:$0x1] =	wrdreg $0xFFFFFFFF  }
0xb4: {  	[dreg:$0x0] =	wrdreg $0x60  }
0xb5: {  	[dreg:$0x2] =	wrdreg s4  }
0xb6: {  	[dreg:$0x3] =	wrdreg s16  }
0xb7: {  	[dreg:$0x4] =	wrdreg s17  }
0xb8: {  	[dreg:$0x5] =	wrdreg $0x9  }
0xb9: {  	_ =	task.clear_ibuf [dreg:s9], $0x6FFFF;
	_ =	strace $0x90000046  }
0xba: {  	s29 =	simm.s32 $0x9;
	_ =	strace $0x80000048  }
0xbb: {  	_ =	swait.ge [sflag:s29], $0x1  }
0xbc: {  	[sflag:s29] =	ssyncadd.s32 $0xFFFFFFFF  }
0xbd: {  	_ =	strace $0x90000048  }
0xbe: {  	_ =	sfence  }
0xbf: {  	s30 =	sld [smem:$0x0];
	_ =	sdelay $0x2  }
0xc0: {  	s31 =	sshll.u32 s1, $0xD;
	s1 =	sshrl.u32 s1, $0x2  }
0xc1: {  	s3 =	sand.u32 $0x4000, s31;
	s1 =	sadd.s32 s1, s30  }
0xc2: {  	s0 =	sor.u32 s3, s0;
	s1 =	sshll.u32 s1, $0x11  }
0xc3: {  	s0 =	sor.u32 s1, s0  }
0xc4: {  	s0 =	sadd.s32 $0x8F2B, s0  }
0xc5: {  	[sflag:s0] =	ssyncadd.remote.s32 $0x1  }
0xc6: {  	_ =	sfence.sel $0xFFFF  }
0xc7: {  	[dreg:$0x0] =	wrdreg $0xFFFFFFFF;
	(pc) =	sbr.abs _section_cstart, $3  }
0xc8: {  	[dreg:$0x1] =	wrdreg $0xFFFFFFFF  }
0xc9: {  	_ =	task.clear_ibuf [dreg:s9], $0x2FFFF;
	_ =	strace $0x9FFFFFFF  }
0xca: {  	(tm) =	ssettm $0x7FFFFFFF  }
0xcb: {  	_ =	shalt  }
tec
execute0_lowered:
.L_overlay_start_1:
0x0: {  	(tag) =	ssettag $0x1  }
0x1: {  	s4 =	stileid.u32  }
0x2: {  	p0 =	sgt.u32 s4, $0x7  }
.Ltmp0:
0x3: {  	_ = 	snop;
	(pc) =	sbr.rel @p0 .LBB2_3-.Ltmp0, $4  }
0x4: {  	s1 =	rddreg [dreg:$0x0]  }
0x5: {  	s0 =	rddreg [dreg:$0x1];
	s3 =	simm.s32 $0x0  }
0x6: {  	[smem:$0x7FF] =	sst s3  }
0x7: {  	s2 =	rddreg [dreg:$0x2];
	_ =	strace $0x80000047  }
0x8: {  	s4 =	srdreg.scid  }
0x9: {  	s4 =	sand.u32 $0x1, s4  }
0xa: {  	s6 =	stileid.u32;
	s5 =	sshll.u32 s4, $0x3  }
0xb: {  	s7 =	sand.u32 $0x3, s6;
	s5 =	sadd.s32 s6, s5  }
0xc: {  	p1 =	sne.s32 s7, $0x0;
	p0 =	seq.s32 s5, $0x0  }
0xd: {  	p0 =	por !p1, !p0  }
0xe: {  	s6 =	simm.s32 $0x1;
	p0 =	por !p0, !p0  }
0xf: {  	s5 =	sshrl.u32 s5, $0x2;
	s6 =	simm.s32 @!p0 $0x0  }
0x10: {  	s8 =	ssub.s32 s5, s6  }
0x11: {  	s31 =	sshll.u32 s7, $0x13;
	s6 =	sshll.u32 s8, $0x15  }
0x12: {  	s5 =	sor.u32 s31, s6  }
0x13: {  	s31 =	simm.s32 $0x80;
	s5 =	sshrl.u32 s5, $0x3  }
0x14: {  	[dreg:$0x14] =	wrdreg s31;
	s10 =	sadd.s32 s2, s5  }
0x15: {  	s2 =	sadd.s32 $0x1000, s10;
	[dreg:$0x15] =	wrdreg s10  }
0x16: {  	s28 =	simm.s32 $0x8200;
	s6 =	sadd.s32 $0x2000, s10;
	[dreg:$0x4] =	wrdreg s2  }
0x17: {  	s4 =	ssub.s32 $0x2, s4;
	s9 =	sadd.s32 $0x3000, s10;
	[dreg:$0x5] =	wrdreg s6  }
0x18: {  	s26 =	sshrl.u32 s4, $0x1;
	s11 =	sadd.s32 $0x4000, s10;
	[dreg:$0x6] =	wrdreg s9  }
0x19: {  	s30 =	ssub.s32 s4, s26;
	s12 =	sadd.s32 $0x5000, s10;
	[dreg:$0x7] =	wrdreg s11  }
0x1a: {  	s29 =	smax.u32 s30, $0x1;
	s13 =	sadd.s32 $0x6000, s10;
	[dreg:$0x8] =	wrdreg s12  }
0x1b: {  	s22 =	sshll.u32 s8, $0x7;
	s14 =	sadd.s32 $0x7000, s10;
	[dreg:$0x9] =	wrdreg s13  }
0x1c: {  	s24 =	sand.u32 $0x180, s22;
	s15 =	sadd.s32 $0x8000, s10;
	[dreg:$0xa] =	wrdreg s14  }
0x1d: {  	s22 =	simm.s32 $0x4;
	s16 =	sadd.s32 $0x9000, s10;
	[dreg:$0xb] =	wrdreg s15  }
0x1e: {  	s5 =	simm.s32 $0x1;
	s17 =	sadd.s32 $0xA000, s10;
	[dreg:$0xc] =	wrdreg s16  }
0x1f: {  	s18 =	sadd.s32 $0xB000, s10;
	s19 =	sadd.s32 $0xC000, s10;
	[dreg:$0xd] =	wrdreg s17  }
0x20: {  	s20 =	sadd.s32 $0xD000, s10;
	[dreg:$0xe] =	wrdreg s18;
	s9 =	sand.u32 $0x1FFFFC, s8  }
0x21: {  	s23 =	sadd.s32 $0xE000, s10;
	[dreg:$0xf] =	wrdreg s19;
	s21 =	sor.u32 s7, s9  }
0x22: {  	s25 =	sadd.s32 $0xF000, s10;
	[dreg:$0x10] =	wrdreg s20;
	s2 =	sshll.u32 s21, $0xB  }
0x23: {  	s10 =	simm.s32 $0x200;
	[dreg:$0x11] =	wrdreg s23;
	s2 =	sor.u32 s24, s2  }
0x24: {  	v2 =	vlaneseq.u32;
	s6 =	sadd.s32 $0x100, s1;
	[dreg:$0x12] =	wrdreg s25;
	s2 =	sshrl.u32 s2, $0x3  }
0x25: {  	vm0 =	vmmov $0xffff;
	v1 =	vshrl.u32 v2, $0x3;
	s8 =	sadd.s32 $0x300, s1;
	s20 =	simm.s32 $0x3;
	s0 =	sadd.s32 s0, s2  }
0x26: {  	v0 =	vand.u32 $0x7, v2;
	v2 =	vor.u32 $0x8, v2;
	v1 =	vmul.u32 $0x8, v1;
	s7 =	sadd.s32 $0x200, s1;
	s21 =	simm.s32 $0x2;
	[dreg:$0x13] =	wrdreg s0  }
.LBB2_2:
0x27: {  	s23 =	rddreg [dreg:$0x13]  }
0x28: {  	s24 =	rddreg [dreg:$0x14];
	s12 =	simm.s32 $0x5  }
0x29: {  	[tilespmem:s3], [sflag:$0x5] =	stream.strided.gather [hbm4b:s23+s24], $0x200, s10, s24, $0x38;
	[tilespmem:$0x10200] =	vst v63  }
0x2a: {  	_ =	swait.ge [sflag:s12], $0x200  }
0x2b: {  	[sflag:s12] =	ssyncset.done $0x0  }
0x2c: {  	[sflag:s12] =	ssyncadd.s32 $0xFFFFFE00  }
0x2d: {  	v3 =	vld [tilespmem:$0x0];
	_ =	sdelay $0x4  }
0x2e: {  	v4 =	vshll.u32 v3, $0x3  }
0x2f: {  	v3 =	vand.u32 $0x7, v3;
	v4 =	vand.u32 $0xFFFFFFC0, v4  }
0x30: {  	v3 =	vor.u32 v3, v4  }
0x31: {  	v4 =	vperm.xlane v3, v0;
	_ =	sdelay $0x1  }
0x32: {  	v4 =	vadd.s32 v1, v4;
	_ =	sdelay $0x4  }
0x33: {  	[tilespmem:s10], [sflag:$0x1] =	stream.indirect_vreg.gather [hbm4b:s1+s3], $0x80, v4, vm0, $0xb8;
	[tilespmem:$0x10200] =	vst v63  }
0x34: {  	s0 =	simm.s32 $0xA00;
	v3 =	vperm.xlane v3, v2  }
0x35: {  	[tilespmem:s0], [sflag:$0x1] =	stream.indirect_vreg.gather [hbm4b:s6+s3], $0x80, v4, vm0, $0xb8;
	[tilespmem:$0x10200] =	vst v63  }
0x36: {  	s13 =	simm.s32 $0x1200;
	v3 =	vadd.s32 v1, v3  }
0x37: {  	[tilespmem:s13], [sflag:$0x1] =	stream.indirect_vreg.gather [hbm4b:s7+s3], $0x80, v4, vm0, $0xb8;
	[tilespmem:$0x10200] =	vst v63  }
0x38: {  	s14 =	simm.s32 $0x1A00  }
0x39: {  	[tilespmem:s14], [sflag:$0x1] =	stream.indirect_vreg.gather [hbm4b:s8+s3], $0x80, v4, vm0, $0xb8;
	[tilespmem:$0x10200] =	vst v63  }
0x3a: {  	s15 =	simm.s32 $0x2200  }
0x3b: {  	[tilespmem:s15], [sflag:$0x1] =	stream.indirect_vreg.gather [hbm4b:s1+s3], $0x80, v3, vm0, $0xb8;
	[tilespmem:$0x10200] =	vst v63  }
0x3c: {  	s17 =	simm.s32 $0x2A00  }
0x3d: {  	[tilespmem:s17], [sflag:$0x1] =	stream.indirect_vreg.gather [hbm4b:s6+s3], $0x80, v3, vm0, $0xb8;
	[tilespmem:$0x10200] =	vst v63  }
0x3e: {  	s18 =	simm.s32 $0x3200  }
0x3f: {  	[tilespmem:s18], [sflag:$0x1] =	stream.indirect_vreg.gather [hbm4b:s7+s3], $0x80, v3, vm0, $0xb8;
	[tilespmem:$0x10200] =	vst v63  }
0x40: {  	s19 =	simm.s32 $0x3A00  }
0x41: {  	[tilespmem:s19], [sflag:$0x1] =	stream.indirect_vreg.gather [hbm4b:s8+s3], $0x80, v3, vm0, $0xb8;
	[tilespmem:$0x10200] =	vst v63  }
0x42: {  	v3 =	vld [tilespmem:$0x10];
	_ =	sdelay $0x4  }
0x43: {  	v33 =	vshll.u32 v3, $0x3  }
0x44: {  	v3 =	vand.u32 $0x7, v3;
	v4 =	vand.u32 $0xFFFFFFC0, v33  }
0x45: {  	v3 =	vor.u32 v3, v4  }
0x46: {  	v4 =	vperm.xlane v3, v0;
	_ =	sdelay $0x1  }
0x47: {  	v4 =	vadd.s32 v1, v4;
	_ =	sdelay $0x3  }
0x48: {  	s23 =	simm.s32 $0x4200  }
0x49: {  	[tilespmem:s23], [sflag:$0x1] =	stream.indirect_vreg.gather [hbm4b:s1+s3], $0x80, v4, vm0, $0xb8;
	[tilespmem:$0x10200] =	vst v63  }
0x4a: {  	s24 =	simm.s32 $0x4A00;
	v3 =	vperm.xlane v3, v2  }
0x4b: {  	[tilespmem:s24], [sflag:$0x1] =	stream.indirect_vreg.gather [hbm4b:s6+s3], $0x80, v4, vm0, $0xb8;
	[tilespmem:$0x10200] =	vst v63  }
0x4c: {  	s25 =	simm.s32 $0x5200;
	v3 =	vadd.s32 v1, v3  }
0x4d: {  	[tilespmem:s25], [sflag:$0x1] =	stream.indirect_vreg.gather [hbm4b:s7+s3], $0x80, v4, vm0, $0xb8;
	[tilespmem:$0x10200] =	vst v63  }
0x4e: {  	s26 =	simm.s32 $0x5A00  }
0x4f: {  	[tilespmem:s26], [sflag:$0x1] =	stream.indirect_vreg.gather [hbm4b:s8+s3], $0x80, v4, vm0, $0xb8;
	[tilespmem:$0x10200] =	vst v63  }
0x50: {  	s31 =	simm.s32 $0x6200  }
0x51: {  	[tilespmem:s31], [sflag:$0x1] =	stream.indirect_vreg.gather [hbm4b:s1+s3], $0x80, v3, vm0, $0xb8;
	[tilespmem:$0x10200] =	vst v63  }
0x52: {  	s12 =	simm.s32 $0x6A00  }
0x53: {  	[tilespmem:s12], [sflag:$0x1] =	stream.indirect_vreg.gather [hbm4b:s6+s3], $0x80, v3, vm0, $0xb8;
	[tilespmem:$0x10200] =	vst v63  }
0x54: {  	s13 =	simm.s32 $0x7200  }
0x55: {  	[tilespmem:s13], [sflag:$0x1] =	stream.indirect_vreg.gather [hbm4b:s7+s3], $0x80, v3, vm0, $0xb8;
	[tilespmem:$0x10200] =	vst v63  }
0x56: {  	s14 =	simm.s32 $0x7A00  }
0x57: {  	[tilespmem:s14], [sflag:$0x1] =	stream.indirect_vreg.gather [hbm4b:s8+s3], $0x80, v3, vm0, $0xb8;
	[tilespmem:$0x10200] =	vst v63  }
0x58: {  	v3 =	vld [tilespmem:$0x20];
	_ =	sdelay $0x4  }
0x59: {  	v34 =	vshll.u32 v3, $0x3  }
0x5a: {  	v3 =	vand.u32 $0x7, v3;
	v4 =	vand.u32 $0xFFFFFFC0, v34  }
0x5b: {  	v3 =	vor.u32 v3, v4  }
0x5c: {  	v4 =	vperm.xlane v3, v0;
	_ =	sdelay $0x1  }
0x5d: {  	v4 =	vadd.s32 v1, v4;
	_ =	sdelay $0x4  }
0x5e: {  	[tilespmem:s28], [sflag:$0x2] =	stream.indirect_vreg.gather [hbm4b:s1+s3], $0x80, v4, vm0, $0xb8;
	[tilespmem:$0x10200] =	vst v63  }
0x5f: {  	s15 =	simm.s32 $0x8A00;
	v3 =	vperm.xlane v3, v2  }
0x60: {  	[tilespmem:s15], [sflag:$0x2] =	stream.indirect_vreg.gather [hbm4b:s6+s3], $0x80, v4, vm0, $0xb8;
	[tilespmem:$0x10200] =	vst v63  }
0x61: {  	s17 =	simm.s32 $0x9200;
	v3 =	vadd.s32 v1, v3  }
0x62: {  	[tilespmem:s17], [sflag:$0x2] =	stream.indirect_vreg.gather [hbm4b:s7+s3], $0x80, v4, vm0, $0xb8;
	[tilespmem:$0x10200] =	vst v63  }
0x63: {  	s18 =	simm.s32 $0x9A00  }
0x64: {  	[tilespmem:s18], [sflag:$0x2] =	stream.indirect_vreg.gather [hbm4b:s8+s3], $0x80, v4, vm0, $0xb8;
	[tilespmem:$0x10200] =	vst v63  }
0x65: {  	s19 =	simm.s32 $0xA200  }
0x66: {  	[tilespmem:s19], [sflag:$0x2] =	stream.indirect_vreg.gather [hbm4b:s1+s3], $0x80, v3, vm0, $0xb8;
	[tilespmem:$0x10200] =	vst v63  }
0x67: {  	s24 =	simm.s32 $0xAA00  }
0x68: {  	[tilespmem:s24], [sflag:$0x2] =	stream.indirect_vreg.gather [hbm4b:s6+s3], $0x80, v3, vm0, $0xb8;
	[tilespmem:$0x10200] =	vst v63  }
0x69: {  	s25 =	simm.s32 $0xB200  }
0x6a: {  	[tilespmem:s25], [sflag:$0x2] =	stream.indirect_vreg.gather [hbm4b:s7+s3], $0x80, v3, vm0, $0xb8;
	[tilespmem:$0x10200] =	vst v63  }
0x6b: {  	s26 =	simm.s32 $0xBA00  }
0x6c: {  	[tilespmem:s26], [sflag:$0x2] =	stream.indirect_vreg.gather [hbm4b:s8+s3], $0x80, v3, vm0, $0xb8;
	[tilespmem:$0x10200] =	vst v63  }
0x6d: {  	v3 =	vld [tilespmem:$0x30];
	_ =	sdelay $0x4  }
0x6e: {  	v35 =	vshll.u32 v3, $0x3  }
0x6f: {  	v3 =	vand.u32 $0x7, v3;
	v4 =	vand.u32 $0xFFFFFFC0, v35  }
0x70: {  	v3 =	vor.u32 v3, v4  }
0x71: {  	v4 =	vperm.xlane v3, v0;
	_ =	sdelay $0x1  }
0x72: {  	v4 =	vadd.s32 v1, v4;
	_ =	sdelay $0x3  }
0x73: {  	s31 =	simm.s32 $0xC200  }
0x74: {  	[tilespmem:s31], [sflag:$0x2] =	stream.indirect_vreg.gather [hbm4b:s1+s3], $0x80, v4, vm0, $0xb8;
	[tilespmem:$0x10200] =	vst v63  }
0x75: {  	s0 =	simm.s32 $0xCA00;
	v3 =	vperm.xlane v3, v2  }
0x76: {  	[tilespmem:s0], [sflag:$0x2] =	stream.indirect_vreg.gather [hbm4b:s6+s3], $0x80, v4, vm0, $0xb8;
	[tilespmem:$0x10200] =	vst v63  }
0x77: {  	s12 =	simm.s32 $0xD200;
	v3 =	vadd.s32 v1, v3  }
0x78: {  	[tilespmem:s12], [sflag:$0x2] =	stream.indirect_vreg.gather [hbm4b:s7+s3], $0x80, v4, vm0, $0xb8;
	[tilespmem:$0x10200] =	vst v63  }
0x79: {  	s17 =	simm.s32 $0xDA00  }
0x7a: {  	[tilespmem:s17], [sflag:$0x2] =	stream.indirect_vreg.gather [hbm4b:s8+s3], $0x80, v4, vm0, $0xb8;
	[tilespmem:$0x10200] =	vst v63  }
0x7b: {  	s18 =	simm.s32 $0xE200  }
0x7c: {  	[tilespmem:s18], [sflag:$0x2] =	stream.indirect_vreg.gather [hbm4b:s1+s3], $0x80, v3, vm0, $0xb8;
	[tilespmem:$0x10200] =	vst v63  }
0x7d: {  	s19 =	simm.s32 $0xEA00  }
0x7e: {  	[tilespmem:s19], [sflag:$0x2] =	stream.indirect_vreg.gather [hbm4b:s6+s3], $0x80, v3, vm0, $0xb8;
	[tilespmem:$0x10200] =	vst v63  }
0x7f: {  	s25 =	simm.s32 $0xF200  }
0x80: {  	[tilespmem:s25], [sflag:$0x2] =	stream.indirect_vreg.gather [hbm4b:s7+s3], $0x80, v3, vm0, $0xb8;
	[tilespmem:$0x10200] =	vst v63  }
0x81: {  	s26 =	simm.s32 $0xFA00  }
0x82: {  	[tilespmem:s26], [sflag:$0x2] =	stream.indirect_vreg.gather [hbm4b:s8+s3], $0x80, v3, vm0, $0xb8;
	[tilespmem:$0x10200] =	vst v63  }
0x83: {  	_ =	swait.ge [sflag:s5], $0x8000  }
0x84: {  	[sflag:s5] =	ssyncset.done $0x0  }
0x85: {  	s0 =	rddreg [dreg:$0x15];
	[sflag:s5] =	ssyncadd.s32 $0xFFFF8000  }
0x86: {  	[hbm4b:s0+s3] =	stream.linear.scatter [tilespmem:s10], [sflag:$0x3], $0x8000, $0x38;
	[tilespmem:$0x10200] =	vst v63  }
0x87: {  	_ =	swait.ge [sflag:s20], $0x8000  }
0x88: {  	[sflag:s20] =	ssyncset.done $0x0  }
0x89: {  	[sflag:s20] =	ssyncadd.s32 $0xFFFF8000  }
0x8a: {  	v3 =	vld [tilespmem:$0x40];
	_ =	sdelay $0x4  }
0x8b: {  	v36 =	vshll.u32 v3, $0x3  }
0x8c: {  	v3 =	vand.u32 $0x7, v3;
	v4 =	vand.u32 $0xFFFFFFC0, v36  }
0x8d: {  	v3 =	vor.u32 v3, v4  }
0x8e: {  	v4 =	vperm.xlane v3, v0;
	_ =	sdelay $0x1  }
0x8f: {  	v4 =	vadd.s32 v1, v4;
	_ =	sdelay $0x4  }
0x90: {  	[tilespmem:s10], [sflag:$0x1] =	stream.indirect_vreg.gather [hbm4b:s1+s3], $0x80, v4, vm0, $0xb8;
	[tilespmem:$0x10200] =	vst v63  }
0x91: {  	s16 =	simm.s32 $0xA00;
	v3 =	vperm.xlane v3, v2  }
0x92: {  	[tilespmem:s16], [sflag:$0x1] =	stream.indirect_vreg.gather [hbm4b:s6+s3], $0x80, v4, vm0, $0xb8;
	[tilespmem:$0x10200] =	vst v63  }
0x93: {  	s2 =	simm.s32 $0x1200;
	v3 =	vadd.s32 v1, v3  }
0x94: {  	[tilespmem:s2], [sflag:$0x1] =	stream.indirect_vreg.gather [hbm4b:s7+s3], $0x80, v4, vm0, $0xb8;
	[tilespmem:$0x10200] =	vst v63  }
0x95: {  	s4 =	simm.s32 $0x1A00  }
0x96: {  	[tilespmem:s4], [sflag:$0x1] =	stream.indirect_vreg.gather [hbm4b:s8+s3], $0x80, v4, vm0, $0xb8;
	[tilespmem:$0x10200] =	vst v63  }
0x97: {  	s30 =	simm.s32 $0x2200  }
0x98: {  	[tilespmem:s30], [sflag:$0x1] =	stream.indirect_vreg.gather [hbm4b:s1+s3], $0x80, v3, vm0, $0xb8;
	[tilespmem:$0x10200] =	vst v63  }
0x99: {  	s16 =	simm.s32 $0x2A00  }
0x9a: {  	[tilespmem:s16], [sflag:$0x1] =	stream.indirect_vreg.gather [hbm4b:s6+s3], $0x80, v3, vm0, $0xb8;
	[tilespmem:$0x10200] =	vst v63  }
0x9b: {  	s17 =	simm.s32 $0x3200  }
0x9c: {  	[tilespmem:s17], [sflag:$0x1] =	stream.indirect_vreg.gather [hbm4b:s7+s3], $0x80, v3, vm0, $0xb8;
	[tilespmem:$0x10200] =	vst v63  }
0x9d: {  	s18 =	simm.s32 $0x3A00  }
0x9e: {  	[tilespmem:s18], [sflag:$0x1] =	stream.indirect_vreg.gather [hbm4b:s8+s3], $0x80, v3, vm0, $0xb8;
	[tilespmem:$0x10200] =	vst v63  }
0x9f: {  	v3 =	vld [tilespmem:$0x50];
	_ =	sdelay $0x4  }
0xa0: {  	v37 =	vshll.u32 v3, $0x3  }
0xa1: {  	v3 =	vand.u32 $0x7, v3;
	v4 =	vand.u32 $0xFFFFFFC0, v37  }
0xa2: {  	v3 =	vor.u32 v3, v4  }
0xa3: {  	v4 =	vperm.xlane v3, v0;
	_ =	sdelay $0x1  }
0xa4: {  	v4 =	vadd.s32 v1, v4;
	_ =	sdelay $0x3  }
0xa5: {  	s19 =	simm.s32 $0x4200  }
0xa6: {  	[tilespmem:s19], [sflag:$0x1] =	stream.indirect_vreg.gather [hbm4b:s1+s3], $0x80, v4, vm0, $0xb8;
	[tilespmem:$0x10200] =	vst v63  }
0xa7: {  	s25 =	simm.s32 $0x4A00;
	v3 =	vperm.xlane v3, v2  }
0xa8: {  	[tilespmem:s25], [sflag:$0x1] =	stream.indirect_vreg.gather [hbm4b:s6+s3], $0x80, v4, vm0, $0xb8;
	[tilespmem:$0x10200] =	vst v63  }
0xa9: {  	s9 =	simm.s32 $0x5200;
	v3 =	vadd.s32 v1, v3  }
0xaa: {  	[tilespmem:s9], [sflag:$0x1] =	stream.indirect_vreg.gather [hbm4b:s7+s3], $0x80, v4, vm0, $0xb8;
	[tilespmem:$0x10200] =	vst v63  }
0xab: {  	s11 =	simm.s32 $0x5A00  }
0xac: {  	[tilespmem:s11], [sflag:$0x1] =	stream.indirect_vreg.gather [hbm4b:s8+s3], $0x80, v4, vm0, $0xb8;
	[tilespmem:$0x10200] =	vst v63  }
0xad: {  	s30 =	simm.s32 $0x6200  }
0xae: {  	[tilespmem:s30], [sflag:$0x1] =	stream.indirect_vreg.gather [hbm4b:s1+s3], $0x80, v3, vm0, $0xb8;
	[tilespmem:$0x10200] =	vst v63  }
0xaf: {  	s4 =	simm.s32 $0x6A00  }
0xb0: {  	[tilespmem:s4], [sflag:$0x1] =	stream.indirect_vreg.gather [hbm4b:s6+s3], $0x80, v3, vm0, $0xb8;
	[tilespmem:$0x10200] =	vst v63  }
0xb1: {  	s9 =	simm.s32 $0x7200  }
0xb2: {  	[tilespmem:s9], [sflag:$0x1] =	stream.indirect_vreg.gather [hbm4b:s7+s3], $0x80, v3, vm0, $0xb8;
	[tilespmem:$0x10200] =	vst v63  }
0xb3: {  	s26 =	simm.s32 $0x7A00  }
0xb4: {  	[tilespmem:s26], [sflag:$0x1] =	stream.indirect_vreg.gather [hbm4b:s8+s3], $0x80, v3, vm0, $0xb8;
	[tilespmem:$0x10200] =	vst v63  }
0xb5: {  	_ =	swait.ge [sflag:s21], $0x8000  }
0xb6: {  	[sflag:s21] =	ssyncset.done $0x0  }
0xb7: {  	s11 =	rddreg [dreg:$0x4];
	[sflag:s21] =	ssyncadd.s32 $0xFFFF8000  }
0xb8: {  	[hbm4b:s11+s3] =	stream.linear.scatter [tilespmem:s28], [sflag:$0x4], $0x8000, $0x38;
	[tilespmem:$0x10200] =	vst v63  }
0xb9: {  	_ =	swait.ge [sflag:s22], $0x8000  }
0xba: {  	[sflag:s22] =	ssyncset.done $0x0  }
0xbb: {  	[sflag:s22] =	ssyncadd.s32 $0xFFFF8000  }
0xbc: {  	v3 =	vld [tilespmem:$0x60];
	_ =	sdelay $0x4  }
0xbd: {  	v38 =	vshll.u32 v3, $0x3  }
0xbe: {  	v3 =	vand.u32 $0x7, v3;
	v4 =	vand.u32 $0xFFFFFFC0, v38  }
0xbf: {  	v3 =	vor.u32 v3, v4  }
0xc0: {  	v4 =	vperm.xlane v3, v0;
	_ =	sdelay $0x1  }
0xc1: {  	v4 =	vadd.s32 v1, v4;
	_ =	sdelay $0x4  }
0xc2: {  	[tilespmem:s28], [sflag:$0x2] =	stream.indirect_vreg.gather [hbm4b:s1+s3], $0x80, v4, vm0, $0xb8;
	[tilespmem:$0x10200] =	vst v63  }
0xc3: {  	s2 =	simm.s32 $0x8A00;
	v3 =	vperm.xlane v3, v2  }
0xc4: {  	[tilespmem:s2], [sflag:$0x2] =	stream.indirect_vreg.gather [hbm4b:s6+s3], $0x80, v4, vm0, $0xb8;
	[tilespmem:$0x10200] =	vst v63  }
0xc5: {  	s0 =	simm.s32 $0x9200;
	v3 =	vadd.s32 v1, v3  }
0xc6: {  	[tilespmem:s0], [sflag:$0x2] =	stream.indirect_vreg.gather [hbm4b:s7+s3], $0x80, v4, vm0, $0xb8;
	[tilespmem:$0x10200] =	vst v63  }
0xc7: {  	s23 =	simm.s32 $0x9A00  }
0xc8: {  	[tilespmem:s23], [sflag:$0x2] =	stream.indirect_vreg.gather [hbm4b:s8+s3], $0x80, v4, vm0, $0xb8;
	[tilespmem:$0x10200] =	vst v63  }
0xc9: {  	s23 =	simm.s32 $0xA200  }
0xca: {  	[tilespmem:s23], [sflag:$0x2] =	stream.indirect_vreg.gather [hbm4b:s1+s3], $0x80, v3, vm0, $0xb8;
	[tilespmem:$0x10200] =	vst v63  }
0xcb: {  	s23 =	simm.s32 $0xAA00  }
0xcc: {  	[tilespmem:s23], [sflag:$0x2] =	stream.indirect_vreg.gather [hbm4b:s6+s3], $0x80, v3, vm0, $0xb8;
	[tilespmem:$0x10200] =	vst v63  }
0xcd: {  	s23 =	simm.s32 $0xB200  }
0xce: {  	[tilespmem:s23], [sflag:$0x2] =	stream.indirect_vreg.gather [hbm4b:s7+s3], $0x80, v3, vm0, $0xb8;
	[tilespmem:$0x10200] =	vst v63  }
0xcf: {  	s13 =	simm.s32 $0xBA00  }
0xd0: {  	[tilespmem:s13], [sflag:$0x2] =	stream.indirect_vreg.gather [hbm4b:s8+s3], $0x80, v3, vm0, $0xb8;
	[tilespmem:$0x10200] =	vst v63  }
0xd1: {  	v3 =	vld [tilespmem:$0x70];
	_ =	sdelay $0x4  }
0xd2: {  	v39 =	vshll.u32 v3, $0x3  }
0xd3: {  	v3 =	vand.u32 $0x7, v3;
	v4 =	vand.u32 $0xFFFFFFC0, v39  }
0xd4: {  	v3 =	vor.u32 v3, v4  }
0xd5: {  	v4 =	vperm.xlane v3, v0;
	_ =	sdelay $0x1  }
0xd6: {  	v4 =	vadd.s32 v1, v4;
	_ =	sdelay $0x3  }
0xd7: {  	s14 =	simm.s32 $0xC200  }
0xd8: {  	[tilespmem:s14], [sflag:$0x2] =	stream.indirect_vreg.gather [hbm4b:s1+s3], $0x80, v4, vm0, $0xb8;
	[tilespmem:$0x10200] =	vst v63  }
0xd9: {  	s15 =	simm.s32 $0xCA00;
	v3 =	vperm.xlane v3, v2  }
0xda: {  	[tilespmem:s15], [sflag:$0x2] =	stream.indirect_vreg.gather [hbm4b:s6+s3], $0x80, v4, vm0, $0xb8;
	[tilespmem:$0x10200] =	vst v63  }
0xdb: {  	s24 =	simm.s32 $0xD200;
	v3 =	vadd.s32 v1, v3  }
0xdc: {  	[tilespmem:s24], [sflag:$0x2] =	stream.indirect_vreg.gather [hbm4b:s7+s3], $0x80, v4, vm0, $0xb8;
	[tilespmem:$0x10200] =	vst v63  }
0xdd: {  	s15 =	simm.s32 $0xDA00  }
0xde: {  	[tilespmem:s15], [sflag:$0x2] =	stream.indirect_vreg.gather [hbm4b:s8+s3], $0x80, v4, vm0, $0xb8;
	[tilespmem:$0x10200] =	vst v63  }
0xdf: {  	s23 =	simm.s32 $0xE200  }
0xe0: {  	[tilespmem:s23], [sflag:$0x2] =	stream.indirect_vreg.gather [hbm4b:s1+s3], $0x80, v3, vm0, $0xb8;
	[tilespmem:$0x10200] =	vst v63  }
0xe1: {  	s24 =	simm.s32 $0xEA00  }
0xe2: {  	[tilespmem:s24], [sflag:$0x2] =	stream.indirect_vreg.gather [hbm4b:s6+s3], $0x80, v3, vm0, $0xb8;
	[tilespmem:$0x10200] =	vst v63  }
0xe3: {  	s31 =	simm.s32 $0xF200  }
0xe4: {  	[tilespmem:s31], [sflag:$0x2] =	stream.indirect_vreg.gather [hbm4b:s7+s3], $0x80, v3, vm0, $0xb8;
	[tilespmem:$0x10200] =	vst v63  }
0xe5: {  	s12 =	simm.s32 $0xFA00  }
0xe6: {  	[tilespmem:s12], [sflag:$0x2] =	stream.indirect_vreg.gather [hbm4b:s8+s3], $0x80, v3, vm0, $0xb8;
	[tilespmem:$0x10200] =	vst v63  }
0xe7: {  	_ =	swait.ge [sflag:s5], $0x8000  }
0xe8: {  	[sflag:s5] =	ssyncset.done $0x0  }
0xe9: {  	s23 =	rddreg [dreg:$0x5];
	[sflag:s5] =	ssyncadd.s32 $0xFFFF8000  }
0xea: {  	[hbm4b:s23+s3] =	stream.linear.scatter [tilespmem:s10], [sflag:$0x3], $0x8000, $0x38;
	[tilespmem:$0x10200] =	vst v63  }
0xeb: {  	_ =	swait.ge [sflag:s20], $0x8000  }
0xec: {  	[sflag:s20] =	ssyncset.done $0x0  }
0xed: {  	[sflag:s20] =	ssyncadd.s32 $0xFFFF8000  }
0xee: {  	v3 =	vld [tilespmem:$0x80];
	_ =	sdelay $0x4  }
0xef: {  	v40 =	vshll.u32 v3, $0x3  }
0xf0: {  	v3 =	vand.u32 $0x7, v3;
	v4 =	vand.u32 $0xFFFFFFC0, v40  }
0xf1: {  	v3 =	vor.u32 v3, v4  }
0xf2: {  	v4 =	vperm.xlane v3, v0;
	_ =	sdelay $0x1  }
0xf3: {  	v4 =	vadd.s32 v1, v4;
	_ =	sdelay $0x4  }
0xf4: {  	[tilespmem:s10], [sflag:$0x1] =	stream.indirect_vreg.gather [hbm4b:s1+s3], $0x80, v4, vm0, $0xb8;
	[tilespmem:$0x10200] =	vst v63  }
0xf5: {  	s23 =	simm.s32 $0xA00;
	v3 =	vperm.xlane v3, v2  }
0xf6: {  	[tilespmem:s23], [sflag:$0x1] =	stream.indirect_vreg.gather [hbm4b:s6+s3], $0x80, v4, vm0, $0xb8;
	[tilespmem:$0x10200] =	vst v63  }
0xf7: {  	v3 =	vadd.s32 v1, v3;
	s23 =	simm.s32 $0x1200  }
0xf8: {  	[tilespmem:s23], [sflag:$0x1] =	stream.indirect_vreg.gather [hbm4b:s7+s3], $0x80, v4, vm0, $0xb8;
	[tilespmem:$0x10200] =	vst v63  }
0xf9: {  	s23 =	simm.s32 $0x1A00  }
0xfa: {  	[tilespmem:s23], [sflag:$0x1] =	stream.indirect_vreg.gather [hbm4b:s8+s3], $0x80, v4, vm0, $0xb8;
	[tilespmem:$0x10200] =	vst v63  }
0xfb: {  	s23 =	simm.s32 $0x2200  }
0xfc: {  	[tilespmem:s23], [sflag:$0x1] =	stream.indirect_vreg.gather [hbm4b:s1+s3], $0x80, v3, vm0, $0xb8;
	[tilespmem:$0x10200] =	vst v63  }
0xfd: {  	_ = 	snop  }
0xfe: {  	[tilespmem:s16], [sflag:$0x1] =	stream.indirect_vreg.gather [hbm4b:s6+s3], $0x80, v3, vm0, $0xb8;
	[tilespmem:$0x10200] =	vst v63  }
0xff: {  	_ = 	snop  }
0x100: {  	[tilespmem:s17], [sflag:$0x1] =	stream.indirect_vreg.gather [hbm4b:s7+s3], $0x80, v3, vm0, $0xb8;
	[tilespmem:$0x10200] =	vst v63  }
0x101: {  	_ = 	snop  }
0x102: {  	[tilespmem:s18], [sflag:$0x1] =	stream.indirect_vreg.gather [hbm4b:s8+s3], $0x80, v3, vm0, $0xb8;
	[tilespmem:$0x10200] =	vst v63  }
0x103: {  	v3 =	vld [tilespmem:$0x90];
	_ =	sdelay $0x4  }
0x104: {  	v41 =	vshll.u32 v3, $0x3  }
0x105: {  	v3 =	vand.u32 $0x7, v3;
	v4 =	vand.u32 $0xFFFFFFC0, v41  }
0x106: {  	v3 =	vor.u32 v3, v4  }
0x107: {  	v4 =	vperm.xlane v3, v0;
	_ =	sdelay $0x1  }
0x108: {  	v4 =	vadd.s32 v1, v4;
	_ =	sdelay $0x4  }
0x109: {  	[tilespmem:s19], [sflag:$0x1] =	stream.indirect_vreg.gather [hbm4b:s1+s3], $0x80, v4, vm0, $0xb8;
	[tilespmem:$0x10200] =	vst v63  }
0x10a: {  	v3 =	vperm.xlane v3, v2  }
0x10b: {  	[tilespmem:s25], [sflag:$0x1] =	stream.indirect_vreg.gather [hbm4b:s6+s3], $0x80, v4, vm0, $0xb8;
	[tilespmem:$0x10200] =	vst v63  }
0x10c: {  	v3 =	vadd.s32 v1, v3;
	s25 =	simm.s32 $0x5200  }
0x10d: {  	[tilespmem:s25], [sflag:$0x1] =	stream.indirect_vreg.gather [hbm4b:s7+s3], $0x80, v4, vm0, $0xb8;
	[tilespmem:$0x10200] =	vst v63  }
0x10e: {  	s25 =	simm.s32 $0x5A00  }
0x10f: {  	[tilespmem:s25], [sflag:$0x1] =	stream.indirect_vreg.gather [hbm4b:s8+s3], $0x80, v4, vm0, $0xb8;
	[tilespmem:$0x10200] =	vst v63  }
0x110: {  	_ = 	snop  }
0x111: {  	[tilespmem:s30], [sflag:$0x1] =	stream.indirect_vreg.gather [hbm4b:s1+s3], $0x80, v3, vm0, $0xb8;
	[tilespmem:$0x10200] =	vst v63  }
0x112: {  	_ = 	snop  }
0x113: {  	[tilespmem:s4], [sflag:$0x1] =	stream.indirect_vreg.gather [hbm4b:s6+s3], $0x80, v3, vm0, $0xb8;
	[tilespmem:$0x10200] =	vst v63  }
0x114: {  	_ = 	snop  }
0x115: {  	[tilespmem:s9], [sflag:$0x1] =	stream.indirect_vreg.gather [hbm4b:s7+s3], $0x80, v3, vm0, $0xb8;
	[tilespmem:$0x10200] =	vst v63  }
0x116: {  	_ = 	snop  }
0x117: {  	[tilespmem:s26], [sflag:$0x1] =	stream.indirect_vreg.gather [hbm4b:s8+s3], $0x80, v3, vm0, $0xb8;
	[tilespmem:$0x10200] =	vst v63  }
0x118: {  	_ =	swait.ge [sflag:s21], $0x8000  }
0x119: {  	[sflag:s21] =	ssyncset.done $0x0  }
0x11a: {  	s30 =	rddreg [dreg:$0x6];
	[sflag:s21] =	ssyncadd.s32 $0xFFFF8000  }
0x11b: {  	[hbm4b:s30+s3] =	stream.linear.scatter [tilespmem:s28], [sflag:$0x4], $0x8000, $0x38;
	[tilespmem:$0x10200] =	vst v63  }
0x11c: {  	_ =	swait.ge [sflag:s22], $0x8000  }
0x11d: {  	[sflag:s22] =	ssyncset.done $0x0  }
0x11e: {  	[sflag:s22] =	ssyncadd.s32 $0xFFFF8000  }
0x11f: {  	v3 =	vld [tilespmem:$0xA0];
	_ =	sdelay $0x4  }
0x120: {  	v42 =	vshll.u32 v3, $0x3  }
0x121: {  	v3 =	vand.u32 $0x7, v3;
	v4 =	vand.u32 $0xFFFFFFC0, v42  }
0x122: {  	v3 =	vor.u32 v3, v4  }
0x123: {  	v4 =	vperm.xlane v3, v0;
	_ =	sdelay $0x1  }
0x124: {  	v4 =	vadd.s32 v1, v4;
	_ =	sdelay $0x4  }
0x125: {  	[tilespmem:s28], [sflag:$0x2] =	stream.indirect_vreg.gather [hbm4b:s1+s3], $0x80, v4, vm0, $0xb8;
	[tilespmem:$0x10200] =	vst v63  }
0x126: {  	v3 =	vperm.xlane v3, v2  }
0x127: {  	[tilespmem:s2], [sflag:$0x2] =	stream.indirect_vreg.gather [hbm4b:s6+s3], $0x80, v4, vm0, $0xb8;
	[tilespmem:$0x10200] =	vst v63  }
0x128: {  	v3 =	vadd.s32 v1, v3  }
0x129: {  	[tilespmem:s0], [sflag:$0x2] =	stream.indirect_vreg.gather [hbm4b:s7+s3], $0x80, v4, vm0, $0xb8;
	[tilespmem:$0x10200] =	vst v63  }
0x12a: {  	s30 =	simm.s32 $0x9A00  }
0x12b: {  	[tilespmem:s30], [sflag:$0x2] =	stream.indirect_vreg.gather [hbm4b:s8+s3], $0x80, v4, vm0, $0xb8;
	[tilespmem:$0x10200] =	vst v63  }
0x12c: {  	s11 =	simm.s32 $0xA200  }
0x12d: {  	[tilespmem:s11], [sflag:$0x2] =	stream.indirect_vreg.gather [hbm4b:s1+s3], $0x80, v3, vm0, $0xb8;
	[tilespmem:$0x10200] =	vst v63  }
0x12e: {  	s23 =	simm.s32 $0xAA00  }
0x12f: {  	[tilespmem:s23], [sflag:$0x2] =	stream.indirect_vreg.gather [hbm4b:s6+s3], $0x80, v3, vm0, $0xb8;
	[tilespmem:$0x10200] =	vst v63  }
0x130: {  	s30 =	simm.s32 $0xB200  }
0x131: {  	[tilespmem:s30], [sflag:$0x2] =	stream.indirect_vreg.gather [hbm4b:s7+s3], $0x80, v3, vm0, $0xb8;
	[tilespmem:$0x10200] =	vst v63  }
0x132: {  	s23 =	simm.s32 $0xBA00  }
0x133: {  	[tilespmem:s23], [sflag:$0x2] =	stream.indirect_vreg.gather [hbm4b:s8+s3], $0x80, v3, vm0, $0xb8;
	[tilespmem:$0x10200] =	vst v63  }
0x134: {  	v3 =	vld [tilespmem:$0xB0];
	_ =	sdelay $0x4  }
0x135: {  	v43 =	vshll.u32 v3, $0x3  }
0x136: {  	v3 =	vand.u32 $0x7, v3;
	v4 =	vand.u32 $0xFFFFFFC0, v43  }
0x137: {  	v3 =	vor.u32 v3, v4  }
0x138: {  	v4 =	vperm.xlane v3, v0;
	_ =	sdelay $0x1  }
0x139: {  	v4 =	vadd.s32 v1, v4;
	_ =	sdelay $0x3  }
0x13a: {  	s23 =	simm.s32 $0xC200  }
0x13b: {  	[tilespmem:s23], [sflag:$0x2] =	stream.indirect_vreg.gather [hbm4b:s1+s3], $0x80, v4, vm0, $0xb8;
	[tilespmem:$0x10200] =	vst v63  }
0x13c: {  	v3 =	vperm.xlane v3, v2;
	s23 =	simm.s32 $0xCA00  }
0x13d: {  	[tilespmem:s23], [sflag:$0x2] =	stream.indirect_vreg.gather [hbm4b:s6+s3], $0x80, v4, vm0, $0xb8;
	[tilespmem:$0x10200] =	vst v63  }
0x13e: {  	s13 =	simm.s32 $0xD200;
	v3 =	vadd.s32 v1, v3  }
0x13f: {  	[tilespmem:s13], [sflag:$0x2] =	stream.indirect_vreg.gather [hbm4b:s7+s3], $0x80, v4, vm0, $0xb8;
	[tilespmem:$0x10200] =	vst v63  }
0x140: {  	s14 =	simm.s32 $0xDA00  }
0x141: {  	[tilespmem:s14], [sflag:$0x2] =	stream.indirect_vreg.gather [hbm4b:s8+s3], $0x80, v4, vm0, $0xb8;
	[tilespmem:$0x10200] =	vst v63  }
0x142: {  	s15 =	simm.s32 $0xE200  }
0x143: {  	[tilespmem:s15], [sflag:$0x2] =	stream.indirect_vreg.gather [hbm4b:s1+s3], $0x80, v3, vm0, $0xb8;
	[tilespmem:$0x10200] =	vst v63  }
0x144: {  	s24 =	simm.s32 $0xEA00  }
0x145: {  	[tilespmem:s24], [sflag:$0x2] =	stream.indirect_vreg.gather [hbm4b:s6+s3], $0x80, v3, vm0, $0xb8;
	[tilespmem:$0x10200] =	vst v63  }
0x146: {  	s31 =	simm.s32 $0xF200  }
0x147: {  	[tilespmem:s31], [sflag:$0x2] =	stream.indirect_vreg.gather [hbm4b:s7+s3], $0x80, v3, vm0, $0xb8;
	[tilespmem:$0x10200] =	vst v63  }
0x148: {  	s12 =	simm.s32 $0xFA00  }
0x149: {  	[tilespmem:s12], [sflag:$0x2] =	stream.indirect_vreg.gather [hbm4b:s8+s3], $0x80, v3, vm0, $0xb8;
	[tilespmem:$0x10200] =	vst v63  }
0x14a: {  	_ =	swait.ge [sflag:s5], $0x8000  }
0x14b: {  	[sflag:s5] =	ssyncset.done $0x0  }
0x14c: {  	s23 =	rddreg [dreg:$0x7];
	[sflag:s5] =	ssyncadd.s32 $0xFFFF8000  }
0x14d: {  	[hbm4b:s23+s3] =	stream.linear.scatter [tilespmem:s10], [sflag:$0x3], $0x8000, $0x38;
	[tilespmem:$0x10200] =	vst v63  }
0x14e: {  	_ =	swait.ge [sflag:s20], $0x8000  }
0x14f: {  	[sflag:s20] =	ssyncset.done $0x0  }
0x150: {  	[sflag:s20] =	ssyncadd.s32 $0xFFFF8000  }
0x151: {  	v3 =	vld [tilespmem:$0xC0];
	_ =	sdelay $0x4  }
0x152: {  	v44 =	vshll.u32 v3, $0x3  }
0x153: {  	v3 =	vand.u32 $0x7, v3;
	v4 =	vand.u32 $0xFFFFFFC0, v44  }
0x154: {  	v3 =	vor.u32 v3, v4  }
0x155: {  	v4 =	vperm.xlane v3, v0;
	_ =	sdelay $0x1  }
0x156: {  	v4 =	vadd.s32 v1, v4;
	_ =	sdelay $0x4  }
0x157: {  	[tilespmem:s10], [sflag:$0x1] =	stream.indirect_vreg.gather [hbm4b:s1+s3], $0x80, v4, vm0, $0xb8;
	[tilespmem:$0x10200] =	vst v63  }
0x158: {  	s23 =	simm.s32 $0xA00;
	v3 =	vperm.xlane v3, v2  }
0x159: {  	[tilespmem:s23], [sflag:$0x1] =	stream.indirect_vreg.gather [hbm4b:s6+s3], $0x80, v4, vm0, $0xb8;
	[tilespmem:$0x10200] =	vst v63  }
0x15a: {  	v3 =	vadd.s32 v1, v3;
	s23 =	simm.s32 $0x1200  }
0x15b: {  	[tilespmem:s23], [sflag:$0x1] =	stream.indirect_vreg.gather [hbm4b:s7+s3], $0x80, v4, vm0, $0xb8;
	[tilespmem:$0x10200] =	vst v63  }
0x15c: {  	s23 =	simm.s32 $0x1A00  }
0x15d: {  	[tilespmem:s23], [sflag:$0x1] =	stream.indirect_vreg.gather [hbm4b:s8+s3], $0x80, v4, vm0, $0xb8;
	[tilespmem:$0x10200] =	vst v63  }
0x15e: {  	s23 =	simm.s32 $0x2200  }
0x15f: {  	[tilespmem:s23], [sflag:$0x1] =	stream.indirect_vreg.gather [hbm4b:s1+s3], $0x80, v3, vm0, $0xb8;
	[tilespmem:$0x10200] =	vst v63  }
0x160: {  	s16 =	simm.s32 $0x2A00  }
0x161: {  	[tilespmem:s16], [sflag:$0x1] =	stream.indirect_vreg.gather [hbm4b:s6+s3], $0x80, v3, vm0, $0xb8;
	[tilespmem:$0x10200] =	vst v63  }
0x162: {  	s17 =	simm.s32 $0x3200  }
0x163: {  	[tilespmem:s17], [sflag:$0x1] =	stream.indirect_vreg.gather [hbm4b:s7+s3], $0x80, v3, vm0, $0xb8;
	[tilespmem:$0x10200] =	vst v63  }
0x164: {  	s18 =	simm.s32 $0x3A00  }
0x165: {  	[tilespmem:s18], [sflag:$0x1] =	stream.indirect_vreg.gather [hbm4b:s8+s3], $0x80, v3, vm0, $0xb8;
	[tilespmem:$0x10200] =	vst v63  }
0x166: {  	v3 =	vld [tilespmem:$0xD0];
	_ =	sdelay $0x4  }
0x167: {  	v45 =	vshll.u32 v3, $0x3  }
0x168: {  	v3 =	vand.u32 $0x7, v3;
	v4 =	vand.u32 $0xFFFFFFC0, v45  }
0x169: {  	v3 =	vor.u32 v3, v4  }
0x16a: {  	v4 =	vperm.xlane v3, v0;
	_ =	sdelay $0x1  }
0x16b: {  	v4 =	vadd.s32 v1, v4;
	_ =	sdelay $0x3  }
0x16c: {  	s19 =	simm.s32 $0x4200  }
0x16d: {  	[tilespmem:s19], [sflag:$0x1] =	stream.indirect_vreg.gather [hbm4b:s1+s3], $0x80, v4, vm0, $0xb8;
	[tilespmem:$0x10200] =	vst v63  }
0x16e: {  	s23 =	simm.s32 $0x4A00;
	v3 =	vperm.xlane v3, v2  }
0x16f: {  	[tilespmem:s23], [sflag:$0x1] =	stream.indirect_vreg.gather [hbm4b:s6+s3], $0x80, v4, vm0, $0xb8;
	[tilespmem:$0x10200] =	vst v63  }
0x170: {  	v3 =	vadd.s32 v1, v3;
	s23 =	simm.s32 $0x5200  }
0x171: {  	[tilespmem:s23], [sflag:$0x1] =	stream.indirect_vreg.gather [hbm4b:s7+s3], $0x80, v4, vm0, $0xb8;
	[tilespmem:$0x10200] =	vst v63  }
0x172: {  	s23 =	simm.s32 $0x5A00  }
0x173: {  	[tilespmem:s23], [sflag:$0x1] =	stream.indirect_vreg.gather [hbm4b:s8+s3], $0x80, v4, vm0, $0xb8;
	[tilespmem:$0x10200] =	vst v63  }
0x174: {  	s25 =	simm.s32 $0x6200  }
0x175: {  	[tilespmem:s25], [sflag:$0x1] =	stream.indirect_vreg.gather [hbm4b:s1+s3], $0x80, v3, vm0, $0xb8;
	[tilespmem:$0x10200] =	vst v63  }
0x176: {  	s4 =	simm.s32 $0x6A00  }
0x177: {  	[tilespmem:s4], [sflag:$0x1] =	stream.indirect_vreg.gather [hbm4b:s6+s3], $0x80, v3, vm0, $0xb8;
	[tilespmem:$0x10200] =	vst v63  }
0x178: {  	s9 =	simm.s32 $0x7200  }
0x179: {  	[tilespmem:s9], [sflag:$0x1] =	stream.indirect_vreg.gather [hbm4b:s7+s3], $0x80, v3, vm0, $0xb8;
	[tilespmem:$0x10200] =	vst v63  }
0x17a: {  	s26 =	simm.s32 $0x7A00  }
0x17b: {  	[tilespmem:s26], [sflag:$0x1] =	stream.indirect_vreg.gather [hbm4b:s8+s3], $0x80, v3, vm0, $0xb8;
	[tilespmem:$0x10200] =	vst v63  }
0x17c: {  	_ =	swait.ge [sflag:s21], $0x8000  }
0x17d: {  	[sflag:s21] =	ssyncset.done $0x0  }
0x17e: {  	s23 =	rddreg [dreg:$0x8];
	[sflag:s21] =	ssyncadd.s32 $0xFFFF8000  }
0x17f: {  	[hbm4b:s23+s3] =	stream.linear.scatter [tilespmem:s28], [sflag:$0x4], $0x8000, $0x38;
	[tilespmem:$0x10200] =	vst v63  }
0x180: {  	_ =	swait.ge [sflag:s22], $0x8000  }
0x181: {  	[sflag:s22] =	ssyncset.done $0x0  }
0x182: {  	[sflag:s22] =	ssyncadd.s32 $0xFFFF8000  }
0x183: {  	v3 =	vld [tilespmem:$0xE0];
	_ =	sdelay $0x4  }
0x184: {  	v46 =	vshll.u32 v3, $0x3  }
0x185: {  	v3 =	vand.u32 $0x7, v3;
	v4 =	vand.u32 $0xFFFFFFC0, v46  }
0x186: {  	v3 =	vor.u32 v3, v4  }
0x187: {  	v4 =	vperm.xlane v3, v0;
	_ =	sdelay $0x1  }
0x188: {  	v4 =	vadd.s32 v1, v4;
	_ =	sdelay $0x4  }
0x189: {  	[tilespmem:s28], [sflag:$0x2] =	stream.indirect_vreg.gather [hbm4b:s1+s3], $0x80, v4, vm0, $0xb8;
	[tilespmem:$0x10200] =	vst v63  }
0x18a: {  	s2 =	simm.s32 $0x8A00;
	v3 =	vperm.xlane v3, v2  }
0x18b: {  	[tilespmem:s2], [sflag:$0x2] =	stream.indirect_vreg.gather [hbm4b:s6+s3], $0x80, v4, vm0, $0xb8;
	[tilespmem:$0x10200] =	vst v63  }
0x18c: {  	s23 =	simm.s32 $0x9200;
	v3 =	vadd.s32 v1, v3  }
0x18d: {  	[tilespmem:s23], [sflag:$0x2] =	stream.indirect_vreg.gather [hbm4b:s7+s3], $0x80, v4, vm0, $0xb8;
	[tilespmem:$0x10200] =	vst v63  }
0x18e: {  	s23 =	simm.s32 $0x9A00  }
0x18f: {  	[tilespmem:s23], [sflag:$0x2] =	stream.indirect_vreg.gather [hbm4b:s8+s3], $0x80, v4, vm0, $0xb8;
	[tilespmem:$0x10200] =	vst v63  }
0x190: {  	s0 =	simm.s32 $0xA200  }
0x191: {  	[tilespmem:s0], [sflag:$0x2] =	stream.indirect_vreg.gather [hbm4b:s1+s3], $0x80, v3, vm0, $0xb8;
	[tilespmem:$0x10200] =	vst v63  }
0x192: {  	s11 =	simm.s32 $0xAA00  }
0x193: {  	[tilespmem:s11], [sflag:$0x2] =	stream.indirect_vreg.gather [hbm4b:s6+s3], $0x80, v3, vm0, $0xb8;
	[tilespmem:$0x10200] =	vst v63  }
0x194: {  	s30 =	simm.s32 $0xB200  }
0x195: {  	[tilespmem:s30], [sflag:$0x2] =	stream.indirect_vreg.gather [hbm4b:s7+s3], $0x80, v3, vm0, $0xb8;
	[tilespmem:$0x10200] =	vst v63  }
0x196: {  	s23 =	simm.s32 $0xBA00  }
0x197: {  	[tilespmem:s23], [sflag:$0x2] =	stream.indirect_vreg.gather [hbm4b:s8+s3], $0x80, v3, vm0, $0xb8;
	[tilespmem:$0x10200] =	vst v63  }
0x198: {  	v3 =	vld [tilespmem:$0xF0];
	_ =	sdelay $0x4  }
0x199: {  	v47 =	vshll.u32 v3, $0x3  }
0x19a: {  	v3 =	vand.u32 $0x7, v3;
	v4 =	vand.u32 $0xFFFFFFC0, v47  }
0x19b: {  	v3 =	vor.u32 v3, v4  }
0x19c: {  	v4 =	vperm.xlane v3, v0;
	_ =	sdelay $0x1  }
0x19d: {  	v4 =	vadd.s32 v1, v4;
	_ =	sdelay $0x3  }
0x19e: {  	s23 =	simm.s32 $0xC200  }
0x19f: {  	[tilespmem:s23], [sflag:$0x2] =	stream.indirect_vreg.gather [hbm4b:s1+s3], $0x80, v4, vm0, $0xb8;
	[tilespmem:$0x10200] =	vst v63  }
0x1a0: {  	v3 =	vperm.xlane v3, v2;
	s23 =	simm.s32 $0xCA00  }
0x1a1: {  	[tilespmem:s23], [sflag:$0x2] =	stream.indirect_vreg.gather [hbm4b:s6+s3], $0x80, v4, vm0, $0xb8;
	[tilespmem:$0x10200] =	vst v63  }
0x1a2: {  	s13 =	simm.s32 $0xD200;
	v3 =	vadd.s32 v1, v3  }
0x1a3: {  	[tilespmem:s13], [sflag:$0x2] =	stream.indirect_vreg.gather [hbm4b:s7+s3], $0x80, v4, vm0, $0xb8;
	[tilespmem:$0x10200] =	vst v63  }
0x1a4: {  	s14 =	simm.s32 $0xDA00  }
0x1a5: {  	[tilespmem:s14], [sflag:$0x2] =	stream.indirect_vreg.gather [hbm4b:s8+s3], $0x80, v4, vm0, $0xb8;
	[tilespmem:$0x10200] =	vst v63  }
0x1a6: {  	s15 =	simm.s32 $0xE200  }
0x1a7: {  	[tilespmem:s15], [sflag:$0x2] =	stream.indirect_vreg.gather [hbm4b:s1+s3], $0x80, v3, vm0, $0xb8;
	[tilespmem:$0x10200] =	vst v63  }
0x1a8: {  	s24 =	simm.s32 $0xEA00  }
0x1a9: {  	[tilespmem:s24], [sflag:$0x2] =	stream.indirect_vreg.gather [hbm4b:s6+s3], $0x80, v3, vm0, $0xb8;
	[tilespmem:$0x10200] =	vst v63  }
0x1aa: {  	s31 =	simm.s32 $0xF200  }
0x1ab: {  	[tilespmem:s31], [sflag:$0x2] =	stream.indirect_vreg.gather [hbm4b:s7+s3], $0x80, v3, vm0, $0xb8;
	[tilespmem:$0x10200] =	vst v63  }
0x1ac: {  	s12 =	simm.s32 $0xFA00  }
0x1ad: {  	[tilespmem:s12], [sflag:$0x2] =	stream.indirect_vreg.gather [hbm4b:s8+s3], $0x80, v3, vm0, $0xb8;
	[tilespmem:$0x10200] =	vst v63  }
0x1ae: {  	_ =	swait.ge [sflag:s5], $0x8000  }
0x1af: {  	[sflag:s5] =	ssyncset.done $0x0  }
0x1b0: {  	s23 =	rddreg [dreg:$0x9];
	[sflag:s5] =	ssyncadd.s32 $0xFFFF8000  }
0x1b1: {  	[hbm4b:s23+s3] =	stream.linear.scatter [tilespmem:s10], [sflag:$0x3], $0x8000, $0x38;
	[tilespmem:$0x10200] =	vst v63  }
0x1b2: {  	_ =	swait.ge [sflag:s20], $0x8000  }
0x1b3: {  	[sflag:s20] =	ssyncset.done $0x0  }
0x1b4: {  	[sflag:s20] =	ssyncadd.s32 $0xFFFF8000  }
0x1b5: {  	v3 =	vld [tilespmem:$0x100];
	_ =	sdelay $0x4  }
0x1b6: {  	v48 =	vshll.u32 v3, $0x3  }
0x1b7: {  	v3 =	vand.u32 $0x7, v3;
	v4 =	vand.u32 $0xFFFFFFC0, v48  }
0x1b8: {  	v3 =	vor.u32 v3, v4  }
0x1b9: {  	v4 =	vperm.xlane v3, v0;
	_ =	sdelay $0x1  }
0x1ba: {  	v4 =	vadd.s32 v1, v4;
	_ =	sdelay $0x4  }
0x1bb: {  	[tilespmem:s10], [sflag:$0x1] =	stream.indirect_vreg.gather [hbm4b:s1+s3], $0x80, v4, vm0, $0xb8;
	[tilespmem:$0x10200] =	vst v63  }
0x1bc: {  	s23 =	simm.s32 $0xA00;
	v3 =	vperm.xlane v3, v2  }
0x1bd: {  	[tilespmem:s23], [sflag:$0x1] =	stream.indirect_vreg.gather [hbm4b:s6+s3], $0x80, v4, vm0, $0xb8;
	[tilespmem:$0x10200] =	vst v63  }
0x1be: {  	v3 =	vadd.s32 v1, v3;
	s23 =	simm.s32 $0x1200  }
0x1bf: {  	[tilespmem:s23], [sflag:$0x1] =	stream.indirect_vreg.gather [hbm4b:s7+s3], $0x80, v4, vm0, $0xb8;
	[tilespmem:$0x10200] =	vst v63  }
0x1c0: {  	s23 =	simm.s32 $0x1A00  }
0x1c1: {  	[tilespmem:s23], [sflag:$0x1] =	stream.indirect_vreg.gather [hbm4b:s8+s3], $0x80, v4, vm0, $0xb8;
	[tilespmem:$0x10200] =	vst v63  }
0x1c2: {  	s23 =	simm.s32 $0x2200  }
0x1c3: {  	[tilespmem:s23], [sflag:$0x1] =	stream.indirect_vreg.gather [hbm4b:s1+s3], $0x80, v3, vm0, $0xb8;
	[tilespmem:$0x10200] =	vst v63  }
0x1c4: {  	s16 =	simm.s32 $0x2A00  }
0x1c5: {  	[tilespmem:s16], [sflag:$0x1] =	stream.indirect_vreg.gather [hbm4b:s6+s3], $0x80, v3, vm0, $0xb8;
	[tilespmem:$0x10200] =	vst v63  }
0x1c6: {  	s17 =	simm.s32 $0x3200  }
0x1c7: {  	[tilespmem:s17], [sflag:$0x1] =	stream.indirect_vreg.gather [hbm4b:s7+s3], $0x80, v3, vm0, $0xb8;
	[tilespmem:$0x10200] =	vst v63  }
0x1c8: {  	s18 =	simm.s32 $0x3A00  }
0x1c9: {  	[tilespmem:s18], [sflag:$0x1] =	stream.indirect_vreg.gather [hbm4b:s8+s3], $0x80, v3, vm0, $0xb8;
	[tilespmem:$0x10200] =	vst v63  }
0x1ca: {  	v3 =	vld [tilespmem:$0x110];
	_ =	sdelay $0x4  }
0x1cb: {  	v49 =	vshll.u32 v3, $0x3  }
0x1cc: {  	v3 =	vand.u32 $0x7, v3;
	v4 =	vand.u32 $0xFFFFFFC0, v49  }
0x1cd: {  	v3 =	vor.u32 v3, v4  }
0x1ce: {  	v4 =	vperm.xlane v3, v0;
	_ =	sdelay $0x1  }
0x1cf: {  	v4 =	vadd.s32 v1, v4;
	_ =	sdelay $0x3  }
0x1d0: {  	s19 =	simm.s32 $0x4200  }
0x1d1: {  	[tilespmem:s19], [sflag:$0x1] =	stream.indirect_vreg.gather [hbm4b:s1+s3], $0x80, v4, vm0, $0xb8;
	[tilespmem:$0x10200] =	vst v63  }
0x1d2: {  	s23 =	simm.s32 $0x4A00;
	v3 =	vperm.xlane v3, v2  }
0x1d3: {  	[tilespmem:s23], [sflag:$0x1] =	stream.indirect_vreg.gather [hbm4b:s6+s3], $0x80, v4, vm0, $0xb8;
	[tilespmem:$0x10200] =	vst v63  }
0x1d4: {  	v3 =	vadd.s32 v1, v3;
	s23 =	simm.s32 $0x5200  }
0x1d5: {  	[tilespmem:s23], [sflag:$0x1] =	stream.indirect_vreg.gather [hbm4b:s7+s3], $0x80, v4, vm0, $0xb8;
	[tilespmem:$0x10200] =	vst v63  }
0x1d6: {  	s23 =	simm.s32 $0x5A00  }
0x1d7: {  	[tilespmem:s23], [sflag:$0x1] =	stream.indirect_vreg.gather [hbm4b:s8+s3], $0x80, v4, vm0, $0xb8;
	[tilespmem:$0x10200] =	vst v63  }
0x1d8: {  	s25 =	simm.s32 $0x6200  }
0x1d9: {  	[tilespmem:s25], [sflag:$0x1] =	stream.indirect_vreg.gather [hbm4b:s1+s3], $0x80, v3, vm0, $0xb8;
	[tilespmem:$0x10200] =	vst v63  }
0x1da: {  	s4 =	simm.s32 $0x6A00  }
0x1db: {  	[tilespmem:s4], [sflag:$0x1] =	stream.indirect_vreg.gather [hbm4b:s6+s3], $0x80, v3, vm0, $0xb8;
	[tilespmem:$0x10200] =	vst v63  }
0x1dc: {  	s9 =	simm.s32 $0x7200  }
0x1dd: {  	[tilespmem:s9], [sflag:$0x1] =	stream.indirect_vreg.gather [hbm4b:s7+s3], $0x80, v3, vm0, $0xb8;
	[tilespmem:$0x10200] =	vst v63  }
0x1de: {  	s26 =	simm.s32 $0x7A00  }
0x1df: {  	[tilespmem:s26], [sflag:$0x1] =	stream.indirect_vreg.gather [hbm4b:s8+s3], $0x80, v3, vm0, $0xb8;
	[tilespmem:$0x10200] =	vst v63  }
0x1e0: {  	_ =	swait.ge [sflag:s21], $0x8000  }
0x1e1: {  	[sflag:s21] =	ssyncset.done $0x0  }
0x1e2: {  	s23 =	rddreg [dreg:$0xa];
	[sflag:s21] =	ssyncadd.s32 $0xFFFF8000  }
0x1e3: {  	[hbm4b:s23+s3] =	stream.linear.scatter [tilespmem:s28], [sflag:$0x4], $0x8000, $0x38;
	[tilespmem:$0x10200] =	vst v63  }
0x1e4: {  	_ =	swait.ge [sflag:s22], $0x8000  }
0x1e5: {  	[sflag:s22] =	ssyncset.done $0x0  }
0x1e6: {  	[sflag:s22] =	ssyncadd.s32 $0xFFFF8000  }
0x1e7: {  	v3 =	vld [tilespmem:$0x120];
	_ =	sdelay $0x4  }
0x1e8: {  	v50 =	vshll.u32 v3, $0x3  }
0x1e9: {  	v3 =	vand.u32 $0x7, v3;
	v4 =	vand.u32 $0xFFFFFFC0, v50  }
0x1ea: {  	v3 =	vor.u32 v3, v4  }
0x1eb: {  	v4 =	vperm.xlane v3, v0;
	_ =	sdelay $0x1  }
0x1ec: {  	v4 =	vadd.s32 v1, v4;
	_ =	sdelay $0x4  }
0x1ed: {  	[tilespmem:s28], [sflag:$0x2] =	stream.indirect_vreg.gather [hbm4b:s1+s3], $0x80, v4, vm0, $0xb8;
	[tilespmem:$0x10200] =	vst v63  }
0x1ee: {  	s2 =	simm.s32 $0x8A00;
	v3 =	vperm.xlane v3, v2  }
0x1ef: {  	[tilespmem:s2], [sflag:$0x2] =	stream.indirect_vreg.gather [hbm4b:s6+s3], $0x80, v4, vm0, $0xb8;
	[tilespmem:$0x10200] =	vst v63  }
0x1f0: {  	s23 =	simm.s32 $0x9200;
	v3 =	vadd.s32 v1, v3  }
0x1f1: {  	[tilespmem:s23], [sflag:$0x2] =	stream.indirect_vreg.gather [hbm4b:s7+s3], $0x80, v4, vm0, $0xb8;
	[tilespmem:$0x10200] =	vst v63  }
0x1f2: {  	s23 =	simm.s32 $0x9A00  }
0x1f3: {  	[tilespmem:s23], [sflag:$0x2] =	stream.indirect_vreg.gather [hbm4b:s8+s3], $0x80, v4, vm0, $0xb8;
	[tilespmem:$0x10200] =	vst v63  }
0x1f4: {  	s0 =	simm.s32 $0xA200  }
0x1f5: {  	[tilespmem:s0], [sflag:$0x2] =	stream.indirect_vreg.gather [hbm4b:s1+s3], $0x80, v3, vm0, $0xb8;
	[tilespmem:$0x10200] =	vst v63  }
0x1f6: {  	s11 =	simm.s32 $0xAA00  }
0x1f7: {  	[tilespmem:s11], [sflag:$0x2] =	stream.indirect_vreg.gather [hbm4b:s6+s3], $0x80, v3, vm0, $0xb8;
	[tilespmem:$0x10200] =	vst v63  }
0x1f8: {  	s30 =	simm.s32 $0xB200  }
0x1f9: {  	[tilespmem:s30], [sflag:$0x2] =	stream.indirect_vreg.gather [hbm4b:s7+s3], $0x80, v3, vm0, $0xb8;
	[tilespmem:$0x10200] =	vst v63  }
0x1fa: {  	s23 =	simm.s32 $0xBA00  }
0x1fb: {  	[tilespmem:s23], [sflag:$0x2] =	stream.indirect_vreg.gather [hbm4b:s8+s3], $0x80, v3, vm0, $0xb8;
	[tilespmem:$0x10200] =	vst v63  }
0x1fc: {  	v3 =	vld [tilespmem:$0x130];
	_ =	sdelay $0x4  }
0x1fd: {  	v51 =	vshll.u32 v3, $0x3  }
0x1fe: {  	v3 =	vand.u32 $0x7, v3;
	v4 =	vand.u32 $0xFFFFFFC0, v51  }
0x1ff: {  	v3 =	vor.u32 v3, v4  }
0x200: {  	v4 =	vperm.xlane v3, v0;
	_ =	sdelay $0x1  }
0x201: {  	v4 =	vadd.s32 v1, v4;
	_ =	sdelay $0x3  }
0x202: {  	s23 =	simm.s32 $0xC200  }
0x203: {  	[tilespmem:s23], [sflag:$0x2] =	stream.indirect_vreg.gather [hbm4b:s1+s3], $0x80, v4, vm0, $0xb8;
	[tilespmem:$0x10200] =	vst v63  }
0x204: {  	v3 =	vperm.xlane v3, v2;
	s23 =	simm.s32 $0xCA00  }
0x205: {  	[tilespmem:s23], [sflag:$0x2] =	stream.indirect_vreg.gather [hbm4b:s6+s3], $0x80, v4, vm0, $0xb8;
	[tilespmem:$0x10200] =	vst v63  }
0x206: {  	s13 =	simm.s32 $0xD200;
	v3 =	vadd.s32 v1, v3  }
0x207: {  	[tilespmem:s13], [sflag:$0x2] =	stream.indirect_vreg.gather [hbm4b:s7+s3], $0x80, v4, vm0, $0xb8;
	[tilespmem:$0x10200] =	vst v63  }
0x208: {  	s14 =	simm.s32 $0xDA00  }
0x209: {  	[tilespmem:s14], [sflag:$0x2] =	stream.indirect_vreg.gather [hbm4b:s8+s3], $0x80, v4, vm0, $0xb8;
	[tilespmem:$0x10200] =	vst v63  }
0x20a: {  	s15 =	simm.s32 $0xE200  }
0x20b: {  	[tilespmem:s15], [sflag:$0x2] =	stream.indirect_vreg.gather [hbm4b:s1+s3], $0x80, v3, vm0, $0xb8;
	[tilespmem:$0x10200] =	vst v63  }
0x20c: {  	s24 =	simm.s32 $0xEA00  }
0x20d: {  	[tilespmem:s24], [sflag:$0x2] =	stream.indirect_vreg.gather [hbm4b:s6+s3], $0x80, v3, vm0, $0xb8;
	[tilespmem:$0x10200] =	vst v63  }
0x20e: {  	s31 =	simm.s32 $0xF200  }
0x20f: {  	[tilespmem:s31], [sflag:$0x2] =	stream.indirect_vreg.gather [hbm4b:s7+s3], $0x80, v3, vm0, $0xb8;
	[tilespmem:$0x10200] =	vst v63  }
0x210: {  	s12 =	simm.s32 $0xFA00  }
0x211: {  	[tilespmem:s12], [sflag:$0x2] =	stream.indirect_vreg.gather [hbm4b:s8+s3], $0x80, v3, vm0, $0xb8;
	[tilespmem:$0x10200] =	vst v63  }
0x212: {  	_ =	swait.ge [sflag:s5], $0x8000  }
0x213: {  	[sflag:s5] =	ssyncset.done $0x0  }
0x214: {  	s23 =	rddreg [dreg:$0xb];
	[sflag:s5] =	ssyncadd.s32 $0xFFFF8000  }
0x215: {  	[hbm4b:s23+s3] =	stream.linear.scatter [tilespmem:s10], [sflag:$0x3], $0x8000, $0x38;
	[tilespmem:$0x10200] =	vst v63  }
0x216: {  	_ =	swait.ge [sflag:s20], $0x8000  }
0x217: {  	[sflag:s20] =	ssyncset.done $0x0  }
0x218: {  	[sflag:s20] =	ssyncadd.s32 $0xFFFF8000  }
0x219: {  	v3 =	vld [tilespmem:$0x140];
	_ =	sdelay $0x4  }
0x21a: {  	v52 =	vshll.u32 v3, $0x3  }
0x21b: {  	v3 =	vand.u32 $0x7, v3;
	v4 =	vand.u32 $0xFFFFFFC0, v52  }
0x21c: {  	v3 =	vor.u32 v3, v4  }
0x21d: {  	v4 =	vperm.xlane v3, v0;
	_ =	sdelay $0x1  }
0x21e: {  	v4 =	vadd.s32 v1, v4;
	_ =	sdelay $0x4  }
0x21f: {  	[tilespmem:s10], [sflag:$0x1] =	stream.indirect_vreg.gather [hbm4b:s1+s3], $0x80, v4, vm0, $0xb8;
	[tilespmem:$0x10200] =	vst v63  }
0x220: {  	s23 =	simm.s32 $0xA00;
	v3 =	vperm.xlane v3, v2  }
0x221: {  	[tilespmem:s23], [sflag:$0x1] =	stream.indirect_vreg.gather [hbm4b:s6+s3], $0x80, v4, vm0, $0xb8;
	[tilespmem:$0x10200] =	vst v63  }
0x222: {  	v3 =	vadd.s32 v1, v3;
	s23 =	simm.s32 $0x1200  }
0x223: {  	[tilespmem:s23], [sflag:$0x1] =	stream.indirect_vreg.gather [hbm4b:s7+s3], $0x80, v4, vm0, $0xb8;
	[tilespmem:$0x10200] =	vst v63  }
0x224: {  	s23 =	simm.s32 $0x1A00  }
0x225: {  	[tilespmem:s23], [sflag:$0x1] =	stream.indirect_vreg.gather [hbm4b:s8+s3], $0x80, v4, vm0, $0xb8;
	[tilespmem:$0x10200] =	vst v63  }
0x226: {  	s23 =	simm.s32 $0x2200  }
0x227: {  	[tilespmem:s23], [sflag:$0x1] =	stream.indirect_vreg.gather [hbm4b:s1+s3], $0x80, v3, vm0, $0xb8;
	[tilespmem:$0x10200] =	vst v63  }
0x228: {  	s16 =	simm.s32 $0x2A00  }
0x229: {  	[tilespmem:s16], [sflag:$0x1] =	stream.indirect_vreg.gather [hbm4b:s6+s3], $0x80, v3, vm0, $0xb8;
	[tilespmem:$0x10200] =	vst v63  }
0x22a: {  	s17 =	simm.s32 $0x3200  }
0x22b: {  	[tilespmem:s17], [sflag:$0x1] =	stream.indirect_vreg.gather [hbm4b:s7+s3], $0x80, v3, vm0, $0xb8;
	[tilespmem:$0x10200] =	vst v63  }
0x22c: {  	s18 =	simm.s32 $0x3A00  }
0x22d: {  	[tilespmem:s18], [sflag:$0x1] =	stream.indirect_vreg.gather [hbm4b:s8+s3], $0x80, v3, vm0, $0xb8;
	[tilespmem:$0x10200] =	vst v63  }
0x22e: {  	v3 =	vld [tilespmem:$0x150];
	_ =	sdelay $0x4  }
0x22f: {  	v53 =	vshll.u32 v3, $0x3  }
0x230: {  	v3 =	vand.u32 $0x7, v3;
	v4 =	vand.u32 $0xFFFFFFC0, v53  }
0x231: {  	v3 =	vor.u32 v3, v4  }
0x232: {  	v4 =	vperm.xlane v3, v0;
	_ =	sdelay $0x1  }
0x233: {  	v4 =	vadd.s32 v1, v4;
	_ =	sdelay $0x3  }
0x234: {  	s19 =	simm.s32 $0x4200  }
0x235: {  	[tilespmem:s19], [sflag:$0x1] =	stream.indirect_vreg.gather [hbm4b:s1+s3], $0x80, v4, vm0, $0xb8;
	[tilespmem:$0x10200] =	vst v63  }
0x236: {  	s23 =	simm.s32 $0x4A00;
	v3 =	vperm.xlane v3, v2  }
0x237: {  	[tilespmem:s23], [sflag:$0x1] =	stream.indirect_vreg.gather [hbm4b:s6+s3], $0x80, v4, vm0, $0xb8;
	[tilespmem:$0x10200] =	vst v63  }
0x238: {  	v3 =	vadd.s32 v1, v3;
	s23 =	simm.s32 $0x5200  }
0x239: {  	[tilespmem:s23], [sflag:$0x1] =	stream.indirect_vreg.gather [hbm4b:s7+s3], $0x80, v4, vm0, $0xb8;
	[tilespmem:$0x10200] =	vst v63  }
0x23a: {  	s23 =	simm.s32 $0x5A00  }
0x23b: {  	[tilespmem:s23], [sflag:$0x1] =	stream.indirect_vreg.gather [hbm4b:s8+s3], $0x80, v4, vm0, $0xb8;
	[tilespmem:$0x10200] =	vst v63  }
0x23c: {  	s25 =	simm.s32 $0x6200  }
0x23d: {  	[tilespmem:s25], [sflag:$0x1] =	stream.indirect_vreg.gather [hbm4b:s1+s3], $0x80, v3, vm0, $0xb8;
	[tilespmem:$0x10200] =	vst v63  }
0x23e: {  	s4 =	simm.s32 $0x6A00  }
0x23f: {  	[tilespmem:s4], [sflag:$0x1] =	stream.indirect_vreg.gather [hbm4b:s6+s3], $0x80, v3, vm0, $0xb8;
	[tilespmem:$0x10200] =	vst v63  }
0x240: {  	s9 =	simm.s32 $0x7200  }
0x241: {  	[tilespmem:s9], [sflag:$0x1] =	stream.indirect_vreg.gather [hbm4b:s7+s3], $0x80, v3, vm0, $0xb8;
	[tilespmem:$0x10200] =	vst v63  }
0x242: {  	s26 =	simm.s32 $0x7A00  }
0x243: {  	[tilespmem:s26], [sflag:$0x1] =	stream.indirect_vreg.gather [hbm4b:s8+s3], $0x80, v3, vm0, $0xb8;
	[tilespmem:$0x10200] =	vst v63  }
0x244: {  	_ =	swait.ge [sflag:s21], $0x8000  }
0x245: {  	[sflag:s21] =	ssyncset.done $0x0  }
0x246: {  	s23 =	rddreg [dreg:$0xc];
	[sflag:s21] =	ssyncadd.s32 $0xFFFF8000  }
0x247: {  	[hbm4b:s23+s3] =	stream.linear.scatter [tilespmem:s28], [sflag:$0x4], $0x8000, $0x38;
	[tilespmem:$0x10200] =	vst v63  }
0x248: {  	_ =	swait.ge [sflag:s22], $0x8000  }
0x249: {  	[sflag:s22] =	ssyncset.done $0x0  }
0x24a: {  	[sflag:s22] =	ssyncadd.s32 $0xFFFF8000  }
0x24b: {  	v3 =	vld [tilespmem:$0x160];
	_ =	sdelay $0x4  }
0x24c: {  	v54 =	vshll.u32 v3, $0x3  }
0x24d: {  	v3 =	vand.u32 $0x7, v3;
	v4 =	vand.u32 $0xFFFFFFC0, v54  }
0x24e: {  	v3 =	vor.u32 v3, v4  }
0x24f: {  	v4 =	vperm.xlane v3, v0;
	_ =	sdelay $0x1  }
0x250: {  	v4 =	vadd.s32 v1, v4;
	_ =	sdelay $0x4  }
0x251: {  	[tilespmem:s28], [sflag:$0x2] =	stream.indirect_vreg.gather [hbm4b:s1+s3], $0x80, v4, vm0, $0xb8;
	[tilespmem:$0x10200] =	vst v63  }
0x252: {  	s2 =	simm.s32 $0x8A00;
	v3 =	vperm.xlane v3, v2  }
0x253: {  	[tilespmem:s2], [sflag:$0x2] =	stream.indirect_vreg.gather [hbm4b:s6+s3], $0x80, v4, vm0, $0xb8;
	[tilespmem:$0x10200] =	vst v63  }
0x254: {  	s23 =	simm.s32 $0x9200;
	v3 =	vadd.s32 v1, v3  }
0x255: {  	[tilespmem:s23], [sflag:$0x2] =	stream.indirect_vreg.gather [hbm4b:s7+s3], $0x80, v4, vm0, $0xb8;
	[tilespmem:$0x10200] =	vst v63  }
0x256: {  	s23 =	simm.s32 $0x9A00  }
0x257: {  	[tilespmem:s23], [sflag:$0x2] =	stream.indirect_vreg.gather [hbm4b:s8+s3], $0x80, v4, vm0, $0xb8;
	[tilespmem:$0x10200] =	vst v63  }
0x258: {  	s0 =	simm.s32 $0xA200  }
0x259: {  	[tilespmem:s0], [sflag:$0x2] =	stream.indirect_vreg.gather [hbm4b:s1+s3], $0x80, v3, vm0, $0xb8;
	[tilespmem:$0x10200] =	vst v63  }
0x25a: {  	s11 =	simm.s32 $0xAA00  }
0x25b: {  	[tilespmem:s11], [sflag:$0x2] =	stream.indirect_vreg.gather [hbm4b:s6+s3], $0x80, v3, vm0, $0xb8;
	[tilespmem:$0x10200] =	vst v63  }
0x25c: {  	s30 =	simm.s32 $0xB200  }
0x25d: {  	[tilespmem:s30], [sflag:$0x2] =	stream.indirect_vreg.gather [hbm4b:s7+s3], $0x80, v3, vm0, $0xb8;
	[tilespmem:$0x10200] =	vst v63  }
0x25e: {  	s23 =	simm.s32 $0xBA00  }
0x25f: {  	[tilespmem:s23], [sflag:$0x2] =	stream.indirect_vreg.gather [hbm4b:s8+s3], $0x80, v3, vm0, $0xb8;
	[tilespmem:$0x10200] =	vst v63  }
0x260: {  	v3 =	vld [tilespmem:$0x170];
	_ =	sdelay $0x4  }
0x261: {  	v55 =	vshll.u32 v3, $0x3  }
0x262: {  	v3 =	vand.u32 $0x7, v3;
	v4 =	vand.u32 $0xFFFFFFC0, v55  }
0x263: {  	v3 =	vor.u32 v3, v4  }
0x264: {  	v4 =	vperm.xlane v3, v0;
	_ =	sdelay $0x1  }
0x265: {  	v4 =	vadd.s32 v1, v4;
	_ =	sdelay $0x3  }
0x266: {  	s11 =	simm.s32 $0xC200  }
0x267: {  	[tilespmem:s11], [sflag:$0x2] =	stream.indirect_vreg.gather [hbm4b:s1+s3], $0x80, v4, vm0, $0xb8;
	[tilespmem:$0x10200] =	vst v63  }
0x268: {  	s23 =	simm.s32 $0xCA00;
	v3 =	vperm.xlane v3, v2  }
0x269: {  	[tilespmem:s23], [sflag:$0x2] =	stream.indirect_vreg.gather [hbm4b:s6+s3], $0x80, v4, vm0, $0xb8;
	[tilespmem:$0x10200] =	vst v63  }
0x26a: {  	s13 =	simm.s32 $0xD200;
	v3 =	vadd.s32 v1, v3  }
0x26b: {  	[tilespmem:s13], [sflag:$0x2] =	stream.indirect_vreg.gather [hbm4b:s7+s3], $0x80, v4, vm0, $0xb8;
	[tilespmem:$0x10200] =	vst v63  }
0x26c: {  	s14 =	simm.s32 $0xDA00  }
0x26d: {  	[tilespmem:s14], [sflag:$0x2] =	stream.indirect_vreg.gather [hbm4b:s8+s3], $0x80, v4, vm0, $0xb8;
	[tilespmem:$0x10200] =	vst v63  }
0x26e: {  	s15 =	simm.s32 $0xE200  }
0x26f: {  	[tilespmem:s15], [sflag:$0x2] =	stream.indirect_vreg.gather [hbm4b:s1+s3], $0x80, v3, vm0, $0xb8;
	[tilespmem:$0x10200] =	vst v63  }
0x270: {  	s24 =	simm.s32 $0xEA00  }
0x271: {  	[tilespmem:s24], [sflag:$0x2] =	stream.indirect_vreg.gather [hbm4b:s6+s3], $0x80, v3, vm0, $0xb8;
	[tilespmem:$0x10200] =	vst v63  }
0x272: {  	s31 =	simm.s32 $0xF200  }
0x273: {  	[tilespmem:s31], [sflag:$0x2] =	stream.indirect_vreg.gather [hbm4b:s7+s3], $0x80, v3, vm0, $0xb8;
	[tilespmem:$0x10200] =	vst v63  }
0x274: {  	s12 =	simm.s32 $0xFA00  }
0x275: {  	[tilespmem:s12], [sflag:$0x2] =	stream.indirect_vreg.gather [hbm4b:s8+s3], $0x80, v3, vm0, $0xb8;
	[tilespmem:$0x10200] =	vst v63  }
0x276: {  	_ =	swait.ge [sflag:s5], $0x8000  }
0x277: {  	[sflag:s5] =	ssyncset.done $0x0  }
0x278: {  	s0 =	rddreg [dreg:$0xd];
	[sflag:s5] =	ssyncadd.s32 $0xFFFF8000  }
0x279: {  	[hbm4b:s0+s3] =	stream.linear.scatter [tilespmem:s10], [sflag:$0x3], $0x8000, $0x38;
	[tilespmem:$0x10200] =	vst v63  }
0x27a: {  	_ =	swait.ge [sflag:s20], $0x8000  }
0x27b: {  	[sflag:s20] =	ssyncset.done $0x0  }
0x27c: {  	[sflag:s20] =	ssyncadd.s32 $0xFFFF8000  }
0x27d: {  	v3 =	vld [tilespmem:$0x180];
	_ =	sdelay $0x4  }
0x27e: {  	v56 =	vshll.u32 v3, $0x3  }
0x27f: {  	v3 =	vand.u32 $0x7, v3;
	v4 =	vand.u32 $0xFFFFFFC0, v56  }
0x280: {  	v3 =	vor.u32 v3, v4  }
0x281: {  	v4 =	vperm.xlane v3, v0;
	_ =	sdelay $0x1  }
0x282: {  	v4 =	vadd.s32 v1, v4;
	_ =	sdelay $0x4  }
0x283: {  	[tilespmem:s10], [sflag:$0x1] =	stream.indirect_vreg.gather [hbm4b:s1+s3], $0x80, v4, vm0, $0xb8;
	[tilespmem:$0x10200] =	vst v63  }
0x284: {  	s11 =	simm.s32 $0xA00;
	v3 =	vperm.xlane v3, v2  }
0x285: {  	[tilespmem:s11], [sflag:$0x1] =	stream.indirect_vreg.gather [hbm4b:s6+s3], $0x80, v4, vm0, $0xb8;
	[tilespmem:$0x10200] =	vst v63  }
0x286: {  	s12 =	simm.s32 $0x1200;
	v3 =	vadd.s32 v1, v3  }
0x287: {  	[tilespmem:s12], [sflag:$0x1] =	stream.indirect_vreg.gather [hbm4b:s7+s3], $0x80, v4, vm0, $0xb8;
	[tilespmem:$0x10200] =	vst v63  }
0x288: {  	s13 =	simm.s32 $0x1A00  }
0x289: {  	[tilespmem:s13], [sflag:$0x1] =	stream.indirect_vreg.gather [hbm4b:s8+s3], $0x80, v4, vm0, $0xb8;
	[tilespmem:$0x10200] =	vst v63  }
0x28a: {  	s14 =	simm.s32 $0x2200  }
0x28b: {  	[tilespmem:s14], [sflag:$0x1] =	stream.indirect_vreg.gather [hbm4b:s1+s3], $0x80, v3, vm0, $0xb8;
	[tilespmem:$0x10200] =	vst v63  }
0x28c: {  	s16 =	simm.s32 $0x2A00  }
0x28d: {  	[tilespmem:s16], [sflag:$0x1] =	stream.indirect_vreg.gather [hbm4b:s6+s3], $0x80, v3, vm0, $0xb8;
	[tilespmem:$0x10200] =	vst v63  }
0x28e: {  	s17 =	simm.s32 $0x3200  }
0x28f: {  	[tilespmem:s17], [sflag:$0x1] =	stream.indirect_vreg.gather [hbm4b:s7+s3], $0x80, v3, vm0, $0xb8;
	[tilespmem:$0x10200] =	vst v63  }
0x290: {  	s18 =	simm.s32 $0x3A00  }
0x291: {  	[tilespmem:s18], [sflag:$0x1] =	stream.indirect_vreg.gather [hbm4b:s8+s3], $0x80, v3, vm0, $0xb8;
	[tilespmem:$0x10200] =	vst v63  }
0x292: {  	v3 =	vld [tilespmem:$0x190];
	_ =	sdelay $0x4  }
0x293: {  	v57 =	vshll.u32 v3, $0x3  }
0x294: {  	v3 =	vand.u32 $0x7, v3;
	v4 =	vand.u32 $0xFFFFFFC0, v57  }
0x295: {  	v3 =	vor.u32 v3, v4  }
0x296: {  	v4 =	vperm.xlane v3, v0;
	_ =	sdelay $0x1  }
0x297: {  	v4 =	vadd.s32 v1, v4;
	_ =	sdelay $0x3  }
0x298: {  	s19 =	simm.s32 $0x4200  }
0x299: {  	[tilespmem:s19], [sflag:$0x1] =	stream.indirect_vreg.gather [hbm4b:s1+s3], $0x80, v4, vm0, $0xb8;
	[tilespmem:$0x10200] =	vst v63  }
0x29a: {  	s15 =	simm.s32 $0x4A00;
	v3 =	vperm.xlane v3, v2  }
0x29b: {  	[tilespmem:s15], [sflag:$0x1] =	stream.indirect_vreg.gather [hbm4b:s6+s3], $0x80, v4, vm0, $0xb8;
	[tilespmem:$0x10200] =	vst v63  }
0x29c: {  	v3 =	vadd.s32 v1, v3;
	s19 =	simm.s32 $0x5200  }
0x29d: {  	[tilespmem:s19], [sflag:$0x1] =	stream.indirect_vreg.gather [hbm4b:s7+s3], $0x80, v4, vm0, $0xb8;
	[tilespmem:$0x10200] =	vst v63  }
0x29e: {  	s23 =	simm.s32 $0x5A00  }
0x29f: {  	[tilespmem:s23], [sflag:$0x1] =	stream.indirect_vreg.gather [hbm4b:s8+s3], $0x80, v4, vm0, $0xb8;
	[tilespmem:$0x10200] =	vst v63  }
0x2a0: {  	s25 =	simm.s32 $0x6200  }
0x2a1: {  	[tilespmem:s25], [sflag:$0x1] =	stream.indirect_vreg.gather [hbm4b:s1+s3], $0x80, v3, vm0, $0xb8;
	[tilespmem:$0x10200] =	vst v63  }
0x2a2: {  	s4 =	simm.s32 $0x6A00  }
0x2a3: {  	[tilespmem:s4], [sflag:$0x1] =	stream.indirect_vreg.gather [hbm4b:s6+s3], $0x80, v3, vm0, $0xb8;
	[tilespmem:$0x10200] =	vst v63  }
0x2a4: {  	s9 =	simm.s32 $0x7200  }
0x2a5: {  	[tilespmem:s9], [sflag:$0x1] =	stream.indirect_vreg.gather [hbm4b:s7+s3], $0x80, v3, vm0, $0xb8;
	[tilespmem:$0x10200] =	vst v63  }
0x2a6: {  	s26 =	simm.s32 $0x7A00  }
0x2a7: {  	[tilespmem:s26], [sflag:$0x1] =	stream.indirect_vreg.gather [hbm4b:s8+s3], $0x80, v3, vm0, $0xb8;
	[tilespmem:$0x10200] =	vst v63  }
0x2a8: {  	_ =	swait.ge [sflag:s21], $0x8000  }
0x2a9: {  	[sflag:s21] =	ssyncset.done $0x0  }
0x2aa: {  	s24 =	rddreg [dreg:$0xe];
	[sflag:s21] =	ssyncadd.s32 $0xFFFF8000  }
0x2ab: {  	[hbm4b:s24+s3] =	stream.linear.scatter [tilespmem:s28], [sflag:$0x4], $0x8000, $0x38;
	[tilespmem:$0x10200] =	vst v63  }
0x2ac: {  	_ =	swait.ge [sflag:s22], $0x8000  }
0x2ad: {  	[sflag:s22] =	ssyncset.done $0x0  }
0x2ae: {  	[sflag:s22] =	ssyncadd.s32 $0xFFFF8000  }
0x2af: {  	v3 =	vld [tilespmem:$0x1A0];
	_ =	sdelay $0x4  }
0x2b0: {  	v58 =	vshll.u32 v3, $0x3  }
0x2b1: {  	v3 =	vand.u32 $0x7, v3;
	v4 =	vand.u32 $0xFFFFFFC0, v58  }
0x2b2: {  	v3 =	vor.u32 v3, v4  }
0x2b3: {  	v4 =	vperm.xlane v3, v0;
	_ =	sdelay $0x1  }
0x2b4: {  	v4 =	vadd.s32 v1, v4;
	_ =	sdelay $0x4  }
0x2b5: {  	[tilespmem:s28], [sflag:$0x2] =	stream.indirect_vreg.gather [hbm4b:s1+s3], $0x80, v4, vm0, $0xb8;
	[tilespmem:$0x10200] =	vst v63  }
0x2b6: {  	s2 =	simm.s32 $0x8A00;
	v3 =	vperm.xlane v3, v2  }
0x2b7: {  	[tilespmem:s2], [sflag:$0x2] =	stream.indirect_vreg.gather [hbm4b:s6+s3], $0x80, v4, vm0, $0xb8;
	[tilespmem:$0x10200] =	vst v63  }
0x2b8: {  	s26 =	simm.s32 $0x9200;
	v3 =	vadd.s32 v1, v3  }
0x2b9: {  	[tilespmem:s26], [sflag:$0x2] =	stream.indirect_vreg.gather [hbm4b:s7+s3], $0x80, v4, vm0, $0xb8;
	[tilespmem:$0x10200] =	vst v63  }
0x2ba: {  	s31 =	simm.s32 $0x9A00  }
0x2bb: {  	[tilespmem:s31], [sflag:$0x2] =	stream.indirect_vreg.gather [hbm4b:s8+s3], $0x80, v4, vm0, $0xb8;
	[tilespmem:$0x10200] =	vst v63  }
0x2bc: {  	s13 =	simm.s32 $0xA200  }
0x2bd: {  	[tilespmem:s13], [sflag:$0x2] =	stream.indirect_vreg.gather [hbm4b:s1+s3], $0x80, v3, vm0, $0xb8;
	[tilespmem:$0x10200] =	vst v63  }
0x2be: {  	s15 =	simm.s32 $0xAA00  }
0x2bf: {  	[tilespmem:s15], [sflag:$0x2] =	stream.indirect_vreg.gather [hbm4b:s6+s3], $0x80, v3, vm0, $0xb8;
	[tilespmem:$0x10200] =	vst v63  }
0x2c0: {  	s30 =	simm.s32 $0xB200  }
0x2c1: {  	[tilespmem:s30], [sflag:$0x2] =	stream.indirect_vreg.gather [hbm4b:s7+s3], $0x80, v3, vm0, $0xb8;
	[tilespmem:$0x10200] =	vst v63  }
0x2c2: {  	s24 =	simm.s32 $0xBA00  }
0x2c3: {  	[tilespmem:s24], [sflag:$0x2] =	stream.indirect_vreg.gather [hbm4b:s8+s3], $0x80, v3, vm0, $0xb8;
	[tilespmem:$0x10200] =	vst v63  }
0x2c4: {  	v3 =	vld [tilespmem:$0x1B0];
	_ =	sdelay $0x4  }
0x2c5: {  	v59 =	vshll.u32 v3, $0x3  }
0x2c6: {  	v3 =	vand.u32 $0x7, v3;
	v4 =	vand.u32 $0xFFFFFFC0, v59  }
0x2c7: {  	v3 =	vor.u32 v3, v4  }
0x2c8: {  	v4 =	vperm.xlane v3, v0;
	_ =	sdelay $0x1  }
0x2c9: {  	v4 =	vadd.s32 v1, v4;
	_ =	sdelay $0x3  }
0x2ca: {  	s30 =	simm.s32 $0xC200  }
0x2cb: {  	[tilespmem:s30], [sflag:$0x2] =	stream.indirect_vreg.gather [hbm4b:s1+s3], $0x80, v4, vm0, $0xb8;
	[tilespmem:$0x10200] =	vst v63  }
0x2cc: {  	s31 =	simm.s32 $0xCA00;
	v3 =	vperm.xlane v3, v2  }
0x2cd: {  	[tilespmem:s31], [sflag:$0x2] =	stream.indirect_vreg.gather [hbm4b:s6+s3], $0x80, v4, vm0, $0xb8;
	[tilespmem:$0x10200] =	vst v63  }
0x2ce: {  	s15 =	simm.s32 $0xD200;
	v3 =	vadd.s32 v1, v3  }
0x2cf: {  	[tilespmem:s15], [sflag:$0x2] =	stream.indirect_vreg.gather [hbm4b:s7+s3], $0x80, v4, vm0, $0xb8;
	[tilespmem:$0x10200] =	vst v63  }
0x2d0: {  	s23 =	simm.s32 $0xDA00  }
0x2d1: {  	[tilespmem:s23], [sflag:$0x2] =	stream.indirect_vreg.gather [hbm4b:s8+s3], $0x80, v4, vm0, $0xb8;
	[tilespmem:$0x10200] =	vst v63  }
0x2d2: {  	s24 =	simm.s32 $0xE200  }
0x2d3: {  	[tilespmem:s24], [sflag:$0x2] =	stream.indirect_vreg.gather [hbm4b:s1+s3], $0x80, v3, vm0, $0xb8;
	[tilespmem:$0x10200] =	vst v63  }
0x2d4: {  	s31 =	simm.s32 $0xEA00  }
0x2d5: {  	[tilespmem:s31], [sflag:$0x2] =	stream.indirect_vreg.gather [hbm4b:s6+s3], $0x80, v3, vm0, $0xb8;
	[tilespmem:$0x10200] =	vst v63  }
0x2d6: {  	s23 =	simm.s32 $0xF200  }
0x2d7: {  	[tilespmem:s23], [sflag:$0x2] =	stream.indirect_vreg.gather [hbm4b:s7+s3], $0x80, v3, vm0, $0xb8;
	[tilespmem:$0x10200] =	vst v63  }
0x2d8: {  	s23 =	simm.s32 $0xFA00  }
0x2d9: {  	[tilespmem:s23], [sflag:$0x2] =	stream.indirect_vreg.gather [hbm4b:s8+s3], $0x80, v3, vm0, $0xb8;
	[tilespmem:$0x10200] =	vst v63  }
0x2da: {  	_ =	swait.ge [sflag:s5], $0x8000  }
0x2db: {  	[sflag:s5] =	ssyncset.done $0x0  }
0x2dc: {  	s23 =	rddreg [dreg:$0xf];
	[sflag:s5] =	ssyncadd.s32 $0xFFFF8000  }
0x2dd: {  	[hbm4b:s23+s3] =	stream.linear.scatter [tilespmem:s10], [sflag:$0x3], $0x8000, $0x38;
	[tilespmem:$0x10200] =	vst v63  }
0x2de: {  	_ =	swait.ge [sflag:s20], $0x8000  }
0x2df: {  	[sflag:s20] =	ssyncset.done $0x0  }
0x2e0: {  	[sflag:s20] =	ssyncadd.s32 $0xFFFF8000  }
0x2e1: {  	v3 =	vld [tilespmem:$0x1C0];
	_ =	sdelay $0x4  }
0x2e2: {  	v60 =	vshll.u32 v3, $0x3  }
0x2e3: {  	v3 =	vand.u32 $0x7, v3;
	v4 =	vand.u32 $0xFFFFFFC0, v60  }
0x2e4: {  	v3 =	vor.u32 v3, v4  }
0x2e5: {  	v4 =	vperm.xlane v3, v0;
	_ =	sdelay $0x1  }
0x2e6: {  	v4 =	vadd.s32 v1, v4;
	_ =	sdelay $0x4  }
0x2e7: {  	[tilespmem:s10], [sflag:$0x1] =	stream.indirect_vreg.gather [hbm4b:s1+s3], $0x80, v4, vm0, $0xb8;
	[tilespmem:$0x10200] =	vst v63  }
0x2e8: {  	s23 =	simm.s32 $0xA00;
	v3 =	vperm.xlane v3, v2  }
0x2e9: {  	[tilespmem:s23], [sflag:$0x1] =	stream.indirect_vreg.gather [hbm4b:s6+s3], $0x80, v4, vm0, $0xb8;
	[tilespmem:$0x10200] =	vst v63  }
0x2ea: {  	v3 =	vadd.s32 v1, v3;
	s23 =	simm.s32 $0x1200  }
0x2eb: {  	[tilespmem:s23], [sflag:$0x1] =	stream.indirect_vreg.gather [hbm4b:s7+s3], $0x80, v4, vm0, $0xb8;
	[tilespmem:$0x10200] =	vst v63  }
0x2ec: {  	s23 =	simm.s32 $0x1A00  }
0x2ed: {  	[tilespmem:s23], [sflag:$0x1] =	stream.indirect_vreg.gather [hbm4b:s8+s3], $0x80, v4, vm0, $0xb8;
	[tilespmem:$0x10200] =	vst v63  }
0x2ee: {  	s23 =	simm.s32 $0x2200  }
0x2ef: {  	[tilespmem:s23], [sflag:$0x1] =	stream.indirect_vreg.gather [hbm4b:s1+s3], $0x80, v3, vm0, $0xb8;
	[tilespmem:$0x10200] =	vst v63  }
0x2f0: {  	s0 =	simm.s32 $0x2A00  }
0x2f1: {  	[tilespmem:s0], [sflag:$0x1] =	stream.indirect_vreg.gather [hbm4b:s6+s3], $0x80, v3, vm0, $0xb8;
	[tilespmem:$0x10200] =	vst v63  }
0x2f2: {  	s16 =	simm.s32 $0x3200  }
0x2f3: {  	[tilespmem:s16], [sflag:$0x1] =	stream.indirect_vreg.gather [hbm4b:s7+s3], $0x80, v3, vm0, $0xb8;
	[tilespmem:$0x10200] =	vst v63  }
0x2f4: {  	s17 =	simm.s32 $0x3A00  }
0x2f5: {  	[tilespmem:s17], [sflag:$0x1] =	stream.indirect_vreg.gather [hbm4b:s8+s3], $0x80, v3, vm0, $0xb8;
	[tilespmem:$0x10200] =	vst v63  }
0x2f6: {  	v3 =	vld [tilespmem:$0x1D0];
	_ =	sdelay $0x4  }
0x2f7: {  	v61 =	vshll.u32 v3, $0x3  }
0x2f8: {  	v3 =	vand.u32 $0x7, v3;
	v4 =	vand.u32 $0xFFFFFFC0, v61  }
0x2f9: {  	v3 =	vor.u32 v3, v4  }
0x2fa: {  	v4 =	vperm.xlane v3, v0;
	_ =	sdelay $0x1  }
0x2fb: {  	v4 =	vadd.s32 v1, v4;
	_ =	sdelay $0x3  }
0x2fc: {  	s18 =	simm.s32 $0x4200  }
0x2fd: {  	[tilespmem:s18], [sflag:$0x1] =	stream.indirect_vreg.gather [hbm4b:s1+s3], $0x80, v4, vm0, $0xb8;
	[tilespmem:$0x10200] =	vst v63  }
0x2fe: {  	s11 =	simm.s32 $0x4A00;
	v3 =	vperm.xlane v3, v2  }
0x2ff: {  	[tilespmem:s11], [sflag:$0x1] =	stream.indirect_vreg.gather [hbm4b:s6+s3], $0x80, v4, vm0, $0xb8;
	[tilespmem:$0x10200] =	vst v63  }
0x300: {  	s23 =	simm.s32 $0x5200;
	v3 =	vadd.s32 v1, v3  }
0x301: {  	[tilespmem:s23], [sflag:$0x1] =	stream.indirect_vreg.gather [hbm4b:s7+s3], $0x80, v4, vm0, $0xb8;
	[tilespmem:$0x10200] =	vst v63  }
0x302: {  	s11 =	simm.s32 $0x5A00  }
0x303: {  	[tilespmem:s11], [sflag:$0x1] =	stream.indirect_vreg.gather [hbm4b:s8+s3], $0x80, v4, vm0, $0xb8;
	[tilespmem:$0x10200] =	vst v63  }
0x304: {  	s19 =	simm.s32 $0x6200  }
0x305: {  	[tilespmem:s19], [sflag:$0x1] =	stream.indirect_vreg.gather [hbm4b:s1+s3], $0x80, v3, vm0, $0xb8;
	[tilespmem:$0x10200] =	vst v63  }
0x306: {  	s25 =	simm.s32 $0x6A00  }
0x307: {  	[tilespmem:s25], [sflag:$0x1] =	stream.indirect_vreg.gather [hbm4b:s6+s3], $0x80, v3, vm0, $0xb8;
	[tilespmem:$0x10200] =	vst v63  }
0x308: {  	s4 =	simm.s32 $0x7200  }
0x309: {  	[tilespmem:s4], [sflag:$0x1] =	stream.indirect_vreg.gather [hbm4b:s7+s3], $0x80, v3, vm0, $0xb8;
	[tilespmem:$0x10200] =	vst v63  }
0x30a: {  	s9 =	simm.s32 $0x7A00  }
0x30b: {  	[tilespmem:s9], [sflag:$0x1] =	stream.indirect_vreg.gather [hbm4b:s8+s3], $0x80, v3, vm0, $0xb8;
	[tilespmem:$0x10200] =	vst v63  }
0x30c: {  	_ =	swait.ge [sflag:s21], $0x8000  }
0x30d: {  	[sflag:s21] =	ssyncset.done $0x0  }
0x30e: {  	s16 =	rddreg [dreg:$0x10];
	[sflag:s21] =	ssyncadd.s32 $0xFFFF8000  }
0x30f: {  	[hbm4b:s16+s3] =	stream.linear.scatter [tilespmem:s28], [sflag:$0x4], $0x8000, $0x38;
	[tilespmem:$0x10200] =	vst v63  }
0x310: {  	_ =	swait.ge [sflag:s22], $0x8000  }
0x311: {  	[sflag:s22] =	ssyncset.done $0x0  }
0x312: {  	[sflag:s22] =	ssyncadd.s32 $0xFFFF8000  }
0x313: {  	v3 =	vld [tilespmem:$0x1E0];
	_ =	sdelay $0x4  }
0x314: {  	v62 =	vshll.u32 v3, $0x3  }
0x315: {  	v3 =	vand.u32 $0x7, v3;
	v4 =	vand.u32 $0xFFFFFFC0, v62  }
0x316: {  	v3 =	vor.u32 v3, v4  }
0x317: {  	v4 =	vperm.xlane v3, v0;
	_ =	sdelay $0x1  }
0x318: {  	v4 =	vadd.s32 v1, v4;
	_ =	sdelay $0x4  }
0x319: {  	[tilespmem:s28], [sflag:$0x2] =	stream.indirect_vreg.gather [hbm4b:s1+s3], $0x80, v4, vm0, $0xb8;
	[tilespmem:$0x10200] =	vst v63  }
0x31a: {  	s12 =	simm.s32 $0x8A00;
	v3 =	vperm.xlane v3, v2  }
0x31b: {  	[tilespmem:s12], [sflag:$0x2] =	stream.indirect_vreg.gather [hbm4b:s6+s3], $0x80, v4, vm0, $0xb8;
	[tilespmem:$0x10200] =	vst v63  }
0x31c: {  	s14 =	simm.s32 $0x9200;
	v3 =	vadd.s32 v1, v3  }
0x31d: {  	[tilespmem:s14], [sflag:$0x2] =	stream.indirect_vreg.gather [hbm4b:s7+s3], $0x80, v4, vm0, $0xb8;
	[tilespmem:$0x10200] =	vst v63  }
0x31e: {  	s17 =	simm.s32 $0x9A00  }
0x31f: {  	[tilespmem:s17], [sflag:$0x2] =	stream.indirect_vreg.gather [hbm4b:s8+s3], $0x80, v4, vm0, $0xb8;
	[tilespmem:$0x10200] =	vst v63  }
0x320: {  	s2 =	simm.s32 $0xA200  }
0x321: {  	[tilespmem:s2], [sflag:$0x2] =	stream.indirect_vreg.gather [hbm4b:s1+s3], $0x80, v3, vm0, $0xb8;
	[tilespmem:$0x10200] =	vst v63  }
0x322: {  	s26 =	simm.s32 $0xAA00  }
0x323: {  	[tilespmem:s26], [sflag:$0x2] =	stream.indirect_vreg.gather [hbm4b:s6+s3], $0x80, v3, vm0, $0xb8;
	[tilespmem:$0x10200] =	vst v63  }
0x324: {  	s13 =	simm.s32 $0xB200  }
0x325: {  	[tilespmem:s13], [sflag:$0x2] =	stream.indirect_vreg.gather [hbm4b:s7+s3], $0x80, v3, vm0, $0xb8;
	[tilespmem:$0x10200] =	vst v63  }
0x326: {  	s18 =	simm.s32 $0xBA00  }
0x327: {  	[tilespmem:s18], [sflag:$0x2] =	stream.indirect_vreg.gather [hbm4b:s8+s3], $0x80, v3, vm0, $0xb8;
	[tilespmem:$0x10200] =	vst v63  }
0x328: {  	v3 =	vld [tilespmem:$0x1F0];
	_ =	sdelay $0x4  }
0x329: {  	v63 =	vshll.u32 v3, $0x3  }
0x32a: {  	v3 =	vand.u32 $0x7, v3;
	v4 =	vand.u32 $0xFFFFFFC0, v63  }
0x32b: {  	v3 =	vor.u32 v3, v4  }
0x32c: {  	v4 =	vperm.xlane v3, v0;
	_ =	sdelay $0x1  }
0x32d: {  	v4 =	vadd.s32 v1, v4;
	_ =	sdelay $0x3  }
0x32e: {  	s19 =	simm.s32 $0xC200  }
0x32f: {  	[tilespmem:s19], [sflag:$0x2] =	stream.indirect_vreg.gather [hbm4b:s1+s3], $0x80, v4, vm0, $0xb8;
	[tilespmem:$0x10200] =	vst v63  }
0x330: {  	s23 =	simm.s32 $0xCA00;
	v3 =	vperm.xlane v3, v2  }
0x331: {  	[tilespmem:s23], [sflag:$0x2] =	stream.indirect_vreg.gather [hbm4b:s6+s3], $0x80, v4, vm0, $0xb8;
	[tilespmem:$0x10200] =	vst v63  }
0x332: {  	s30 =	simm.s32 $0xD200;
	v3 =	vadd.s32 v1, v3  }
0x333: {  	[tilespmem:s30], [sflag:$0x2] =	stream.indirect_vreg.gather [hbm4b:s7+s3], $0x80, v4, vm0, $0xb8;
	[tilespmem:$0x10200] =	vst v63  }
0x334: {  	s15 =	simm.s32 $0xDA00  }
0x335: {  	[tilespmem:s15], [sflag:$0x2] =	stream.indirect_vreg.gather [hbm4b:s8+s3], $0x80, v4, vm0, $0xb8;
	[tilespmem:$0x10200] =	vst v63  }
0x336: {  	s24 =	simm.s32 $0xE200  }
0x337: {  	[tilespmem:s24], [sflag:$0x2] =	stream.indirect_vreg.gather [hbm4b:s1+s3], $0x80, v3, vm0, $0xb8;
	[tilespmem:$0x10200] =	vst v63  }
0x338: {  	s31 =	simm.s32 $0xEA00  }
0x339: {  	[tilespmem:s31], [sflag:$0x2] =	stream.indirect_vreg.gather [hbm4b:s6+s3], $0x80, v3, vm0, $0xb8;
	[tilespmem:$0x10200] =	vst v63  }
0x33a: {  	s25 =	simm.s32 $0xF200  }
0x33b: {  	[tilespmem:s25], [sflag:$0x2] =	stream.indirect_vreg.gather [hbm4b:s7+s3], $0x80, v3, vm0, $0xb8;
	[tilespmem:$0x10200] =	vst v63  }
0x33c: {  	s26 =	simm.s32 $0xFA00  }
0x33d: {  	[tilespmem:s26], [sflag:$0x2] =	stream.indirect_vreg.gather [hbm4b:s8+s3], $0x80, v3, vm0, $0xb8;
	[tilespmem:$0x10200] =	vst v63  }
0x33e: {  	_ =	swait.ge [sflag:s5], $0x8000  }
0x33f: {  	[sflag:s5] =	ssyncset.done $0x0  }
0x340: {  	s30 =	rddreg [dreg:$0x11];
	[sflag:s5] =	ssyncadd.s32 $0xFFFF8000  }
0x341: {  	[hbm4b:s30+s3] =	stream.linear.scatter [tilespmem:s10], [sflag:$0x3], $0x8000, $0x38;
	[tilespmem:$0x10200] =	vst v63  }
0x342: {  	_ =	swait.ge [sflag:s21], $0x8000  }
0x343: {  	[sflag:s21] =	ssyncset.done $0x0  }
0x344: {  	s31 =	rddreg [dreg:$0x12];
	[sflag:s21] =	ssyncadd.s32 $0xFFFF8000  }
0x345: {  	[hbm4b:s31+s3] =	stream.linear.scatter [tilespmem:s28], [sflag:$0x4], $0x8000, $0x38;
	[tilespmem:$0x10200] =	vst v63  }
0x346: {  	p0 =	sne.s32 s29, $0x1;
	_ =	swait.ge [sflag:s20], $0x8000  }
.Ltmp1:
0x347: {  	[sflag:s20] =	ssyncset.done $0x0;
	(pc) =	sbr.rel @p0 .LBB2_2-.Ltmp1, $4  }
0x348: {  	[sflag:s20] =	ssyncadd.s32 $0xFFFF8000  }
0x349: {  	_ =	swait.ge [sflag:s22], $0x8000  }
0x34a: {  	[sflag:s22] =	ssyncset.done $0x0  }
0x34b: {  	s29 =	sadd.s32 $0xFFFFFFFF, s29;
	[sflag:s22] =	ssyncadd.s32 $0xFFFF8000  }
.LBB2_3:
0x34c: {  	_ =	sfence.sel $0x180000  }
0x34d: {  	[bflag:$0x0] =	sbarrier.arrive $0xFFFF  }
0x34e: {  	_ =	strace $0x90000047  }
0x34f: {  	s0 =	stileid.u32;
	[bflag:$0x2] =	sbarrier.arrive $0xFFFF  }
0x350: {  	p0 =	sne.s32 s0, $0x0;
	s0 =	rddreg [dreg:$0x3]  }
0x351: {  	s0 =	sadd.s32 @!p0 $0x100000, s0  }
0x352: {  	[sflag:s0] =	ssyncadd.tile.s32 @!p0 $0x1;
	_ =	shalt  }
.Lfunc_end2:
_tile_overlayer_lowered:
.L_overlay_start_2:
0x353: {  	(tag) =	ssettag $0x2  }
0x354: {  	s0 =	rddreg [dreg:$0x0];
	s2 =	stileid.u32  }
0x355: {  	s1 =	rddreg [dreg:$0x1];
	p0 =	sne.s32 s2, $0x0  }
0x356: {  	s3 =	rddreg [dreg:$0x2];
	[bflag:$0x3] =	sbarrier.arrive $0xFFFF;
	s2 =	simm.s32 @!p0 $0x1C05  }
0x357: {  	[timem:s3], [sflag:s2] =	dma.local @!p0 [hbm:s0], s1  }
0x358: {  	s0 =	simm.s32 @!p0 $0x5  }
0x359: {  	_ =	swait.ge @!p0 [sflag:s0], s1  }
0x35a: {  	s1 =	ssub.s32 @!p0 $0x0, s1;
	[sflag:s0] =	ssyncset.done @!p0 $0x0  }
0x35b: {  	[sflag:s0] =	ssyncadd.s32 @!p0 s1  }
0x35c: {  	[bflag:$0x3] =	sbarrier.arrive $0xFFFF  }
0x35d: {  	_ =	shalt  }

</sc_bundles>
